<compile_context>
chip_gen: v7x
topology: tpu7x:2x2x1
jax: 0.10.2.dev20260603
libtpu: 0.0.44.dev20260713+nightly
codegen_flags: <defaults>
</compile_context>

<pallas_src>
import jax
import jax.numpy as jnp
import numpy as np
from jax import lax
from jax.experimental import pallas as pl
from jax.experimental.pallas import tpu as pltpu
from jax.experimental.pallas import tpu_sc as plsc

FH = 14
FW = 14
D_WORD = 300
D_HID = 1024
D_EMB = 2048
SENT_LEN = 45
VOCAB = 10000
B = 32

_NTOK = SENT_LEN * B
_NTOK_PAD = 1536
_ROWS_PER_W = 48
_NPIX = FH * FW
_NP = B * _NPIX
_BLK = 4 * _NPIX
_NBLK = _NP // _BLK
_NVALID = float(_NP)
_F32 = jnp.float32
_BF16 = jnp.bfloat16



def _sc_gather(table, idx):
    mesh = plsc.VectorSubcoreMesh(core_axis_name="c", subcore_axis_name="s")
    d = table.shape[1]

    def body(table_hbm, idx_hbm, out_hbm, idx_v, rows_v, sem):
        wid = lax.axis_index("s") * 2 + lax.axis_index("c")
        base = wid * _ROWS_PER_W
        pltpu.sync_copy(idx_hbm.at[pl.ds(base, _ROWS_PER_W)], idx_v)
        pltpu.async_copy(table_hbm.at[idx_v], rows_v, sem).wait()
        pltpu.sync_copy(rows_v, out_hbm.at[pl.ds(base, _ROWS_PER_W)])

    f = pl.kernel(
        body,
        mesh=mesh,
        out_type=jax.ShapeDtypeStruct((_NTOK_PAD, d), jnp.float32),
        scratch_types=[
            pltpu.VMEM((_ROWS_PER_W,), jnp.int32),
            pltpu.VMEM((_ROWS_PER_W, d), jnp.float32),
            pltpu.SemaphoreType.DMA,
        ],
    )
    return f(table, idx)



_PBLK = 256
_NPROJ = _NTOK_PAD // _PBLK


def _lstm_body(x_ref, wf_ref, bf_ref, whh_ref, wb_ref, bb_ref, enc_ref,
               xw_ref):
    s = pl.program_id(0)

    @pl.when(s < _NPROJ)
    def _():
        st = pl.multiple_of(s * _PBLK, _PBLK)
        xx = x_ref[pl.ds(st, _PBLK), :][:, 0:D_WORD].astype(_BF16)
        xw_ref[pl.ds(st, _PBLK), :] = lax.dot_general(
            xx, wf_ref[...], (((1,), (1,)), ((), ())),
            preferred_element_type=_F32) + bf_ref[pl.ds(0, 1), :]

    @pl.when(s == _NPROJ)
    def _():
        def step(t, hc):
            h, c = hc
            g = xw_ref[pl.ds(pl.multiple_of(t * B, B), B), :] + \
                lax.dot_general(
                    h.astype(_BF16), whh_ref[...], (((1,), (1,)), ((), ())),
                    preferred_element_type=_F32)
            i = jax.nn.sigmoid(g[:, 0:1024])
            f = jax.nn.sigmoid(g[:, 1024:2048])
            gg = jnp.tanh(g[:, 2048:3072])
            o = jax.nn.sigmoid(g[:, 3072:4096])
            c = f * c + i * gg
            return (o * jnp.tanh(c), c)

        h0 = jnp.zeros((B, D_HID), _F32)
        h, _ = lax.fori_loop(0, SENT_LEN, step, (h0, h0))

        xb = x_ref[pl.ds((SENT_LEN - 1) * B, B), :][:, 0:D_WORD].astype(_BF16)
        gb = lax.dot_general(
            xb, wb_ref[...], (((1,), (1,)), ((), ())),
            preferred_element_type=_F32) + bb_ref[pl.ds(0, 1), :]
        cb = jax.nn.sigmoid(gb[:, 0:1024]) * jnp.tanh(gb[:, 2048:3072])
        hb = jax.nn.sigmoid(gb[:, 3072:4096]) * jnp.tanh(cb)

        e = jnp.concatenate([h, hb], axis=1)
        nrm = jnp.sqrt(jnp.sum(e * e, axis=1, keepdims=True))
        enc_ref[...] = e / jnp.maximum(nrm, 1e-12)


def _lstm_call(x, Wih_f, Whh_f, Wih_b, bf, bb):
    full = lambda shape: pl.BlockSpec(shape, lambda s: tuple(0 for _ in shape))
    return pl.pallas_call(
        _lstm_body,
        grid=(_NPROJ + 1,),
        in_specs=[full(x.shape), full(Wih_f.shape), full(bf.shape),
                  full(Whh_f.shape), full(Wih_b.shape), full(bb.shape)],
        out_specs=full((B, D_EMB)),
        out_shape=jax.ShapeDtypeStruct((B, D_EMB), jnp.float32),
        scratch_shapes=[pltpu.VMEM((_NTOK_PAD, 4 * D_HID), jnp.float32)],
    )(x, Wih_f, bf, Whh_f, Wih_b, bb)



def _tapsum(zb, mt_ref, mb_ref, ml_ref, mr_ref):
    acc = None
    for t in range(9):
        di, dj = t // 3, t % 3
        off = FW * (di - 1) + (dj - 1)
        r = pltpu.roll(zb[:, t * 128:(t + 1) * 128], (-off) % _BLK, 0)
        if di == 0:
            r = r * mt_ref[...]
        elif di == 2:
            r = r * mb_ref[...]
        if dj == 0:
            r = r * ml_ref[...]
        elif dj == 2:
            r = r * mr_ref[...]
        acc = r if acc is None else acc + r
    return acc


def _accum_sums(i, y, s_ref, s2_ref):
    ps = jnp.broadcast_to(jnp.sum(y, axis=0, keepdims=True), (8, 128))
    ps2 = jnp.broadcast_to(jnp.sum(y * y, axis=0, keepdims=True), (8, 128))

    @pl.when(i == 0)
    def _():
        s_ref[...] = ps
        s2_ref[...] = ps2

    @pl.when(i != 0)
    def _():
        s_ref[...] += ps
        s2_ref[...] += ps2


def _bn_from_sums(x, s_ref, s2_ref, g_ref, b_ref):
    m = s_ref[pl.ds(0, 1), :] / _NVALID
    m2 = s2_ref[pl.ds(0, 1), :] / _NVALID
    var = m2 - m * m
    xn = (x - m) / jnp.sqrt(var + 1e-5)
    return jnp.maximum(xn * g_ref[pl.ds(0, 1), :] + b_ref[pl.ds(0, 1), :],
                       0.0)


def _img_body(img_ref, wall_ref, pfr_ref, wcc_ref, cba_ref, w11c_ref,
              w11v_ref, w12_ref, w21c_ref, w21v_ref, w22_ref, g0_ref, b0_ref,
              g1_ref, b1_ref, g2_ref, b2_ref, mt_ref, mb_ref, ml_ref, mr_ref,
              out_ref, a_ref, b_ref2, c_ref, d_ref,
              s0_ref, s20_ref, s1_ref, s21_ref, s2_ref, s22_ref):
    s = pl.program_id(0)
    st = pl.multiple_of((s % _NBLK) * _BLK, _BLK)

    def cm4(pref, wref):
        cm = jnp.dot(pref[...], wref[...], preferred_element_type=_F32)
        return jnp.concatenate([cm, cm, cm, cm], axis=0)

    @pl.when(s < _NBLK)
    def _():
        x4 = img_ref[...]
        x = jnp.concatenate([x4[0], x4[1], x4[2], x4[3]], axis=1)
        ssq = jnp.sum(x * x, axis=0, keepdims=True)
        xn = (x / jnp.maximum(jnp.sqrt(ssq), 1e-12)).astype(_BF16)
        z = lax.dot_general(xn, wall_ref[...], (((0,), (0,)), ((), ())),
                            preferred_element_type=_F32)
        y = _tapsum(z, mt_ref, mb_ref, ml_ref, mr_ref) + cm4(pfr_ref, wcc_ref)
        a_ref[pl.ds(st, _BLK), :] = y
        _accum_sums(s, y, s0_ref, s20_ref)

    def res_phase(raw_ref, sums, gg, bb, w1c, w1v, w2, res_ref, v1o_ref,
                  rawo_ref, so, s2o, first):
        vt = _bn_from_sums(raw_ref[pl.ds(st, _BLK), :], sums[0], sums[1],
                           gg, bb)
        if res_ref is not None:
            vt = vt + res_ref[pl.ds(st, _BLK), :]
        v1 = jnp.maximum(
            jnp.dot(vt, w1v[...], preferred_element_type=_F32)
            + cm4(cba_ref, w1c), 0.0)
        v1o_ref[pl.ds(st, _BLK), :] = v1
        z2 = jnp.dot(v1, w2[...], preferred_element_type=_F32)
        y = _tapsum(z2, mt_ref, mb_ref, ml_ref, mr_ref)
        rawo_ref[pl.ds(st, _BLK), :] = y
        _accum_sums(s - first, y, so, s2o)

    @pl.when((s >= _NBLK) & (s < 2 * _NBLK))
    def _():
        res_phase(a_ref, (s0_ref, s20_ref), g0_ref, b0_ref, w11c_ref,
                  w11v_ref, w12_ref, None, b_ref2, c_ref, s1_ref, s21_ref,
                  _NBLK)

    @pl.when((s >= 2 * _NBLK) & (s < 3 * _NBLK))
    def _():
        res_phase(c_ref, (s1_ref, s21_ref), g1_ref, b1_ref, w21c_ref,
                  w21v_ref, w22_ref, b_ref2, d_ref, a_ref, s2_ref, s22_ref,
                  2 * _NBLK)

    @pl.when(s >= 3 * _NBLK)
    def _():
        out_ref[...] = _bn_from_sums(
            a_ref[pl.ds(st, _BLK), :], s2_ref, s22_ref, g2_ref, b2_ref
        ) + d_ref[pl.ds(st, _BLK), :]


def _img_call(img3, wall, pfr, wcc, cba, w11c, w11v, w12, w21c, w21v, w22,
              g0, b0, g1, b1, g2, b2, mt, mb, ml, mr):
    full = lambda shape: pl.BlockSpec(shape, lambda s: tuple(0 for _ in shape))
    consts = [wall, pfr, wcc, cba, w11c, w11v, w12, w21c, w21v, w22,
              g0, b0, g1, b1, g2, b2, mt, mb, ml, mr]
    return pl.pallas_call(
        _img_body,
        grid=(4 * _NBLK,),
        in_specs=[pl.BlockSpec((4, 1024, _NPIX),
                               lambda s: (jnp.where(s < _NBLK, s, 0), 0, 0))]
        + [full(a.shape) for a in consts],
        out_specs=pl.BlockSpec(
            (_BLK, 128),
            lambda s: (jnp.where(s >= 3 * _NBLK, s % _NBLK, 0), 0)),
        out_shape=jax.ShapeDtypeStruct((_NP, 128), jnp.float32),
        scratch_shapes=[pltpu.VMEM((_NP, 128), jnp.float32)] * 4
        + [pltpu.VMEM((8, 128), jnp.float32)] * 6,
    )(img3, *consts)



def _coord_consts():
    ii = np.arange(_NPIX)
    c0 = (ii / FW - FH // 2) / (FH / 2.0)
    c1 = (ii % FW - FW // 2) / (FW / 2.0)
    coord2d = np.stack([c0, c1], axis=1).reshape(FH, FW, 2).astype(np.float32)
    cbpad = np.pad(coord2d, ((1, 1), (1, 1), (0, 0)))

    pfr = np.zeros((_NPIX, 24), np.float32)
    cba = np.zeros((_NPIX, 8), np.float32)
    for i in range(FH):
        for j in range(FW):
            q = FW * i + j
            I, J = i + 1, j + 1
            cba[q, 0] = cbpad[I, J, 0]
            cba[q, 1] = cbpad[I, J, 1]
            cba[q, 2] = 1.0
            pfr[q, 18] = 1.0
            for di in range(3):
                for dj in range(3):
                    for k in range(2):
                        pfr[q, (3 * di + dj) * 2 + k] = (
                            cbpad[I + di - 1, J + dj - 1, k])

    r = np.arange(_BLK)
    q = r % _NPIX
    mt = (q >= FW).astype(np.float32)
    mb = (q < _NPIX - FW).astype(np.float32)
    ml = ((q % FW) != 0).astype(np.float32)
    mr = ((q % FW) != FW - 1).astype(np.float32)

    def rep(m):
        return np.ascontiguousarray(
            np.broadcast_to(m[:, None], (_BLK, 128))).astype(np.float32)

    return pfr, cba, rep(mt), rep(mb), rep(ml), rep(mr)


_PFR, _CBA, _MT, _MB, _ML, _MR = _coord_consts()


def kernel(que, img, emb, Wih_f, Whh_f, bih_f, bhh_f, Wih_b, Whh_b, bih_b,
           bhh_b, Wc, bc, g0, bt0, W11, b11, W12, b12, g1, bt1, W21, b21,
           W22, b22, g2, bt2):
    f32 = jnp.float32

    idx = jnp.concatenate([
        que.T.astype(jnp.int32).reshape(-1),
        jnp.zeros((_NTOK_PAD - _NTOK,), jnp.int32)])
    table = jnp.pad(emb.astype(f32), ((0, 0), (0, 384 - D_WORD)))
    x = _sc_gather(table, idx)

    def rep8(v):
        return jnp.broadcast_to(v[None, :], (8, v.shape[0]))

    enc = _lstm_call(x, Wih_f.astype(_BF16), Whh_f.astype(_BF16),
                     Wih_b.astype(_BF16),
                     rep8(bih_f + bhh_f), rep8(bih_b + bhh_b))

    img3 = img.reshape(B, 1024, _NPIX)

    wall = jnp.transpose(Wc[:, :1024], (1, 2, 3, 0)).reshape(
        1024, 9 * 128).astype(_BF16)
    wcc = jnp.stack([Wc[:, 1024 + k, di, dj]
                     for di in range(3) for dj in range(3) for k in range(2)],
                    axis=0)
    wcc = jnp.concatenate([wcc, bc[None, :], jnp.zeros((5, 128), f32)], axis=0)

    w11v = W11[:, :128, 0, 0].T
    w11c = jnp.concatenate([W11[:, 128, 0, 0][None], W11[:, 129, 0, 0][None],
                            b11[None], jnp.zeros((5, 128), f32)], axis=0)
    w12 = jnp.transpose(W12, (1, 2, 3, 0)).reshape(128, 9 * 128)
    w21v = W21[:, :128, 0, 0].T
    w21c = jnp.concatenate([W21[:, 128, 0, 0][None], W21[:, 129, 0, 0][None],
                            b21[None], jnp.zeros((5, 128), f32)], axis=0)
    w22 = jnp.transpose(W22, (1, 2, 3, 0)).reshape(128, 9 * 128)

    pfr = jnp.asarray(_PFR)
    cba = jnp.asarray(_CBA)
    mt = jnp.asarray(_MT)
    mb = jnp.asarray(_MB)
    ml = jnp.asarray(_ML)
    mr = jnp.asarray(_MR)

    vout = _img_call(img3, wall, pfr, wcc, cba, w11c, w11v, w12, w21c, w21v,
                     w22, rep8(g0), rep8(bt0), rep8(g1), rep8(bt1),
                     rep8(g2), rep8(bt2), mt, mb, ml, mr)

    v = jnp.transpose(vout.reshape(B, FH, FW, 128), (0, 3, 1, 2))
    return enc, v

# --- scband reference (transcript-rebuilt; emitter-appended) ---
"""Pipeline reference for scband-tree-attention-abstract-dp-32916629357288 (READ-ONLY COPY).

The authoritative reference and input builder live on the scoring server;
editing this copy changes nothing except your own understanding.
"""

import jax, jax.numpy as jnp
import numpy as np

FH = 14
FW = 14
D_WORD = 300
D_HID = 1024
D_EMB = 2048
SENT_LEN = 45
VOCAB = 10000
B = 32


def make_coord():
    n = FH * FW
    c = np.zeros((n, 2), dtype=np.float32)
    for i in range(n):
        c[i, 0] = (i / FW - FH // 2) / (FH / 2.0)
        c[i, 1] = (i % FW - FW // 2) / (FW / 2.0)
    return jnp.asarray(c.reshape(1, FH, FW, 2).transpose(0, 3, 1, 2))


def conv2d(x, w, b, pad):
    y = jax.lax.conv_general_dilated(x, w, (1, 1), [(pad, pad), (pad, pad)], dimension_numbers=('NCHW', 'OIHW', 'NCHW'))
    return y + b[None, :, None, None]


def batchnorm(x, g, bt, eps=1e-5):
    m = x.mean(axis=(0, 2, 3), keepdims=True)
    v = x.var(axis=(0, 2, 3), keepdims=True)
    return (x - m) / jnp.sqrt(v + eps) * g[None, :, None, None] + bt[None, :, None, None]


def lstm_dir(x, Wih, Whh, bih, bhh):
    h0 = jnp.zeros((x.shape[1], D_HID), dtype=x.dtype)
    c0 = jnp.zeros((x.shape[1], D_HID), dtype=x.dtype)
    def step(carry, xt):
        h, c = carry
        g = xt @ Wih.T + bih + h @ Whh.T + bhh
        i, f, gg, o = jnp.split(g, 4, axis=1)
        i = jax.nn.sigmoid(i)
        f = jax.nn.sigmoid(f)
        gg = jnp.tanh(gg)
        o = jax.nn.sigmoid(o)
        c = f * c + i * gg
        h = o * jnp.tanh(c)
        return (h, c), h
    _, hs = jax.lax.scan(step, (h0, c0), x)
    return hs


def _forward(que, img, emb, Wih_f, Whh_f, bih_f, bhh_f, Wih_b, Whh_b, bih_b, bhh_b, Wc, bc, g0, bt0, W11, b11, W12, b12, g1, bt1, W21, b21, W22, b22, g2, bt2):
    coord = make_coord()
    e = jnp.take(emb, que, axis=0)
    x = jnp.transpose(e, (1, 0, 2))
    hf = lstm_dir(x, Wih_f, Whh_f, bih_f, bhh_f)
    hb = lstm_dir(x[::-1], Wih_b, Whh_b, bih_b, bhh_b)[::-1]
    q = jnp.concatenate([hf, hb], axis=-1)
    qf = q.reshape(-1, D_EMB)
    qf = qf / jnp.maximum(jnp.linalg.norm(qf, axis=1, keepdims=True), 1e-12)
    qenc = qf.reshape(SENT_LEN, -1, D_EMB)
    enc = qenc[-1]
    b = img.shape[0]
    v = jnp.transpose(img, (0, 2, 3, 1)).reshape(-1, 1024)
    v = v / jnp.maximum(jnp.linalg.norm(v, axis=1, keepdims=True), 1e-12)
    v = jnp.transpose(v.reshape(b, FH, FW, 1024), (0, 3, 1, 2))
    cb = jnp.broadcast_to(coord, (b, 2, FH, FW))
    v = jax.nn.relu(batchnorm(conv2d(jnp.concatenate([v, cb], axis=1), Wc, bc, 1), g0, bt0))
    def resblock(v, W1, b1, W2, b2, g, bt):
        vv = jnp.concatenate([v, cb], axis=1)
        v1 = jax.nn.relu(conv2d(vv, W1, b1, 0))
        v2 = jax.nn.relu(batchnorm(conv2d(v1, W2, b2, 1), g, bt))
        return v2 + v1
    v = resblock(v, W11, b11, W12, b12, g1, bt1)
    v = resblock(v, W21, b21, W22, b22, g2, bt2)
    return (enc, v)


def setup_inputs(seed: int = 0):
    key = jax.random.key(seed)
    ks = jax.random.split(key, 16)
    s = 0.02
    d = {}
    d['que'] = jax.random.randint(ks[0], (B, SENT_LEN), 0, VOCAB + 1)
    d['img'] = jax.random.normal(ks[1], (B, 1024, FH, FW), dtype=jnp.float32)
    d['emb'] = (jax.random.normal(ks[2], (VOCAB + 1, D_WORD), dtype=jnp.float32) * s).at[0].set(0.0)
    d['Wih_f'] = jax.random.normal(ks[3], (4 * D_HID, D_WORD), dtype=jnp.float32) * s
    d['Whh_f'] = jax.random.normal(ks[4], (4 * D_HID, D_HID), dtype=jnp.float32) * s
    d['bih_f'] = jnp.zeros((4 * D_HID,), dtype=jnp.float32)
    d['bhh_f'] = jnp.zeros((4 * D_HID,), dtype=jnp.float32)
    d['Wih_b'] = jax.random.normal(ks[5], (4 * D_HID, D_WORD), dtype=jnp.float32) * s
    d['Whh_b'] = jax.random.normal(ks[6], (4 * D_HID, D_HID), dtype=jnp.float32) * s
    d['bih_b'] = jnp.zeros((4 * D_HID,), dtype=jnp.float32)
    d['bhh_b'] = jnp.zeros((4 * D_HID,), dtype=jnp.float32)
    d['Wc'] = jax.random.normal(ks[7], (128, 1026, 3, 3), dtype=jnp.float32) * s
    d['bc'] = jnp.zeros((128,), dtype=jnp.float32)
    d['g0'] = jnp.ones((128,), dtype=jnp.float32)
    d['bt0'] = jnp.zeros((128,), dtype=jnp.float32)
    d['W11'] = jax.random.normal(ks[8], (128, 130, 1, 1), dtype=jnp.float32) * s
    d['b11'] = jnp.zeros((128,), dtype=jnp.float32)
    d['W12'] = jax.random.normal(ks[9], (128, 128, 3, 3), dtype=jnp.float32) * s
    d['b12'] = jnp.zeros((128,), dtype=jnp.float32)
    d['g1'] = jnp.ones((128,), dtype=jnp.float32)
    d['bt1'] = jnp.zeros((128,), dtype=jnp.float32)
    d['W21'] = jax.random.normal(ks[10], (128, 130, 1, 1), dtype=jnp.float32) * s
    d['b21'] = jnp.zeros((128,), dtype=jnp.float32)
    d['W22'] = jax.random.normal(ks[11], (128, 128, 3, 3), dtype=jnp.float32) * s
    d['b22'] = jnp.zeros((128,), dtype=jnp.float32)
    d['g2'] = jnp.ones((128,), dtype=jnp.float32)
    d['bt2'] = jnp.zeros((128,), dtype=jnp.float32)
    return d


def reference(que, img, emb, Wih_f, Whh_f, bih_f, bhh_f, Wih_b, Whh_b, bih_b, bhh_b, Wc, bc, g0, bt0, W11, b11, W12, b12, g1, bt1, W21, b21, W22, b22, g2, bt2):
    return _forward(que, img, emb, Wih_f, Whh_f, bih_f, bhh_f, Wih_b, Whh_b, bih_b, bhh_b, Wc, bc, g0, bt0, W11, b11, W12, b12, g1, bt1, W21, b21, W22, b22, g2, bt2)

if __name__ == "__main__":
    import jax
    _d = setup_inputs()
    print(jax.jit(kernel)(*tuple(_d.values())))

</pallas_src>

<mosaic_0001>
#map = affine_map<(d0, d1) -> (0, 0)>
#map1 = affine_map<(d0, d1) -> (0)>
module attributes {stable_mosaic.version = 14 : i64} {
  func.func @body(%arg0: i32, %arg1: i32, %arg2: memref<10001x384xf32, #tpu.memory_space<hbm>>, %arg3: memref<1536xi32, #tpu.memory_space<hbm>>, %arg4: memref<1536x384xf32, #tpu.memory_space<hbm>>, %arg5: memref<48xi32, #tpu.memory_space<vmem>>, %arg6: memref<48x384xf32, #tpu.memory_space<vmem>>, %arg7: memref<!tpu.dma_semaphore, #tpu.memory_space<semaphore_mem>>) attributes {dimension_semantics = [#tpu.dimension_semantics<core_parallel>, #tpu.dimension_semantics<subcore_parallel>], iteration_bounds = array<i64: 2, 16>, scalar_prefetch = 0 : i64, scratch_operands = 3 : i64, tpu.core_type = #tpu.core_type<sc_vector_subcore>, window_params = [{transform_indices = #map}, {transform_indices = #map1}, {transform_indices = #map}]} {
    %mul3A = arith.constant 2 : i32
    %mul3A_0 = arith.muli %arg1, %mul3A : i32
    %add3A = arith.addi %mul3A_0, %arg0 : i32
    %mul3A_1 = arith.constant 48 : i32
    %mul3A_2 = arith.muli %add3A, %mul3A_1 : i32
    "tpu.region"() ({
      %run_scoped3A = tpu.sem_alloc : memref<!tpu.dma_semaphore, #tpu.memory_space<semaphore_mem>>
      %dma_start3A_7 = tpu.memref_slice %arg3[%mul3A_2] : memref<1536xi32, #tpu.memory_space<hbm>> -> memref<48xi32, #tpu.memory_space<hbm>>
      %dma_start3A_8 = tpu.memref_slice %arg3[%mul3A_2] : memref<1536xi32, #tpu.memory_space<hbm>> -> memref<48xi32, #tpu.memory_space<hbm>>
      tpu.enqueue_dma source(%dma_start3A_8 : memref<48xi32, #tpu.memory_space<hbm>>) target(%arg5 : memref<48xi32, #tpu.memory_space<vmem>>) target_semaphore(%run_scoped3A : memref<!tpu.dma_semaphore, #tpu.memory_space<semaphore_mem>>)
      %dma_wait3A_9 = tpu.memref_slice %arg3[%mul3A_2] : memref<1536xi32, #tpu.memory_space<hbm>> -> memref<48xi32, #tpu.memory_space<hbm>>
      %dma_wait3A_10 = tpu.memref_slice %arg3[%mul3A_2] : memref<1536xi32, #tpu.memory_space<hbm>> -> memref<48xi32, #tpu.memory_space<hbm>>
      tpu.wait_dma2 semaphore(%run_scoped3A : memref<!tpu.dma_semaphore, #tpu.memory_space<semaphore_mem>>) src(%dma_wait3A_10 : memref<48xi32, #tpu.memory_space<hbm>>) dst(%arg5 : memref<48xi32, #tpu.memory_space<vmem>>)
      tpu.yield
    }) : () -> ()
    %dma_start3A = arith.constant 0 : i32
    %dma_start3A_3 = arith.constant 0 : i32
    %dma_start3A_4 = tpu.memref_slice %arg2[%dma_start3A, %dma_start3A_3] : memref<10001x384xf32, #tpu.memory_space<hbm>> -> memref<10001x384xf32, #tpu.memory_space<hbm>>
    tpu.enqueue_indirect_dma source(%dma_start3A_4 : memref<10001x384xf32, #tpu.memory_space<hbm>>) target(%arg6 : memref<48x384xf32, #tpu.memory_space<vmem>>) offsets(%arg5 : memref<48xi32, #tpu.memory_space<vmem>>) semaphore(%arg7 : memref<!tpu.dma_semaphore, #tpu.memory_space<semaphore_mem>>)
    %dma_wait3A = arith.constant 0 : i32
    %dma_wait3A_5 = arith.constant 0 : i32
    %dma_wait3A_6 = tpu.memref_slice %arg2[%dma_wait3A, %dma_wait3A_5] : memref<10001x384xf32, #tpu.memory_space<hbm>> -> memref<10001x384xf32, #tpu.memory_space<hbm>>
    tpu.wait_indirect_dma semaphore(%arg7 : memref<!tpu.dma_semaphore, #tpu.memory_space<semaphore_mem>>) src(%dma_wait3A_6 : memref<10001x384xf32, #tpu.memory_space<hbm>>) dst(%arg6 : memref<48x384xf32, #tpu.memory_space<vmem>>)
    "tpu.region"() ({
      %run_scoped3A = tpu.sem_alloc : memref<!tpu.dma_semaphore, #tpu.memory_space<semaphore_mem>>
      %dma_start3A_7 = arith.constant 0 : i32
      %dma_start3A_8 = tpu.memref_slice %arg4[%mul3A_2, %dma_start3A_7] : memref<1536x384xf32, #tpu.memory_space<hbm>> -> memref<48x384xf32, #tpu.memory_space<hbm>>
      %dma_start3A_9 = arith.constant 0 : i32
      %dma_start3A_10 = tpu.memref_slice %arg4[%mul3A_2, %dma_start3A_9] : memref<1536x384xf32, #tpu.memory_space<hbm>> -> memref<48x384xf32, #tpu.memory_space<hbm>>
      tpu.enqueue_dma source(%arg6 : memref<48x384xf32, #tpu.memory_space<vmem>>) target(%dma_start3A_10 : memref<48x384xf32, #tpu.memory_space<hbm>>) target_semaphore(%run_scoped3A : memref<!tpu.dma_semaphore, #tpu.memory_space<semaphore_mem>>)
      %dma_wait3A_11 = arith.constant 0 : i32
      %dma_wait3A_12 = tpu.memref_slice %arg4[%mul3A_2, %dma_wait3A_11] : memref<1536x384xf32, #tpu.memory_space<hbm>> -> memref<48x384xf32, #tpu.memory_space<hbm>>
      %dma_wait3A_13 = arith.constant 0 : i32
      %dma_wait3A_14 = tpu.memref_slice %arg4[%mul3A_2, %dma_wait3A_13] : memref<1536x384xf32, #tpu.memory_space<hbm>> -> memref<48x384xf32, #tpu.memory_space<hbm>>
      tpu.wait_dma2 semaphore(%run_scoped3A : memref<!tpu.dma_semaphore, #tpu.memory_space<semaphore_mem>>) src(%arg6 : memref<48x384xf32, #tpu.memory_space<vmem>>) dst(%dma_wait3A_14 : memref<48x384xf32, #tpu.memory_space<hbm>>)
      tpu.yield
    }) : () -> ()
    return
  }
}

module attributes {stable_mosaic.version = 14 : i64} {
  func.func @_img_body(%arg0: i32, %arg1: memref<4x1024x196xf32, #tpu.memory_space<vmem>>, %arg2: memref<1024x1152xbf16, #tpu.memory_space<vmem>>, %arg3: memref<196x24xf32, #tpu.memory_space<vmem>>, %arg4: memref<24x128xf32, #tpu.memory_space<vmem>>, %arg5: memref<196x8xf32, #tpu.memory_space<vmem>>, %arg6: memref<8x128xf32, #tpu.memory_space<vmem>>, %arg7: memref<128x128xf32, #tpu.memory_space<vmem>>, %arg8: memref<128x1152xf32, #tpu.memory_space<vmem>>, %arg9: memref<8x128xf32, #tpu.memory_space<vmem>>, %arg10: memref<128x128xf32, #tpu.memory_space<vmem>>, %arg11: memref<128x1152xf32, #tpu.memory_space<vmem>>, %arg12: memref<8x128xf32, #tpu.memory_space<vmem>>, %arg13: memref<8x128xf32, #tpu.memory_space<vmem>>, %arg14: memref<8x128xf32, #tpu.memory_space<vmem>>, %arg15: memref<8x128xf32, #tpu.memory_space<vmem>>, %arg16: memref<8x128xf32, #tpu.memory_space<vmem>>, %arg17: memref<8x128xf32, #tpu.memory_space<vmem>>, %arg18: memref<784x128xf32, #tpu.memory_space<vmem>>, %arg19: memref<784x128xf32, #tpu.memory_space<vmem>>, %arg20: memref<784x128xf32, #tpu.memory_space<vmem>>, %arg21: memref<784x128xf32, #tpu.memory_space<vmem>>, %arg22: memref<784x128xf32, #tpu.memory_space<vmem>>, %arg23: memref<6272x128xf32, #tpu.memory_space<vmem>>, %arg24: memref<6272x128xf32, #tpu.memory_space<vmem>>, %arg25: memref<6272x128xf32, #tpu.memory_space<vmem>>, %arg26: memref<6272x128xf32, #tpu.memory_space<vmem>>, %arg27: memref<8x128xf32, #tpu.memory_space<vmem>>, %arg28: memref<8x128xf32, #tpu.memory_space<vmem>>, %arg29: memref<8x128xf32, #tpu.memory_space<vmem>>, %arg30: memref<8x128xf32, #tpu.memory_space<vmem>>, %arg31: memref<8x128xf32, #tpu.memory_space<vmem>>, %arg32: memref<8x128xf32, #tpu.memory_space<vmem>>) attributes {dimension_semantics = [#tpu.dimension_semantics<arbitrary>], iteration_bounds = array<i64: 32>, scalar_prefetch = 0 : i64, scratch_operands = 10 : i64, tpu.core_type = #tpu.core_type<tc>, window_params = [{transform_indices = @transform_0, window_bounds = array<i64: 4, 1024, 196>}, {pipeline_mode = #tpu.pipeline_mode<synchronous>, transform_indices = @transform_1, window_bounds = array<i64: 1024, 1152>}, {pipeline_mode = #tpu.pipeline_mode<synchronous>, transform_indices = @transform_2, window_bounds = array<i64: 196, 24>}, {pipeline_mode = #tpu.pipeline_mode<synchronous>, transform_indices = @transform_3, window_bounds = array<i64: 24, 128>}, {pipeline_mode = #tpu.pipeline_mode<synchronous>, transform_indices = @transform_4, window_bounds = array<i64: 196, 8>}, {pipeline_mode = #tpu.pipeline_mode<synchronous>, transform_indices = @transform_5, window_bounds = array<i64: 8, 128>}, {pipeline_mode = #tpu.pipeline_mode<synchronous>, transform_indices = @transform_6, window_bounds = array<i64: 128, 128>}, {pipeline_mode = #tpu.pipeline_mode<synchronous>, transform_indices = @transform_7, window_bounds = array<i64: 128, 1152>}, {pipeline_mode = #tpu.pipeline_mode<synchronous>, transform_indices = @transform_8, window_bounds = array<i64: 8, 128>}, {pipeline_mode = #tpu.pipeline_mode<synchronous>, transform_indices = @transform_9, window_bounds = array<i64: 128, 128>}, {pipeline_mode = #tpu.pipeline_mode<synchronous>, transform_indices = @transform_10, window_bounds = array<i64: 128, 1152>}, {pipeline_mode = #tpu.pipeline_mode<synchronous>, transform_indices = @transform_11, window_bounds = array<i64: 8, 128>}, {pipeline_mode = #tpu.pipeline_mode<synchronous>, transform_indices = @transform_12, window_bounds = array<i64: 8, 128>}, {pipeline_mode = #tpu.pipeline_mode<synchronous>, transform_indices = @transform_13, window_bounds = array<i64: 8, 128>}, {pipeline_mode = #tpu.pipeline_mode<synchronous>, transform_indices = @transform_14, window_bounds = array<i64: 8, 128>}, {pipeline_mode = #tpu.pipeline_mode<synchronous>, transform_indices = @transform_15, window_bounds = array<i64: 8, 128>}, {pipeline_mode = #tpu.pipeline_mode<synchronous>, transform_indices = @transform_16, window_bounds = array<i64: 8, 128>}, {pipeline_mode = #tpu.pipeline_mode<synchronous>, transform_indices = @transform_17, window_bounds = array<i64: 784, 128>}, {pipeline_mode = #tpu.pipeline_mode<synchronous>, transform_indices = @transform_18, window_bounds = array<i64: 784, 128>}, {pipeline_mode = #tpu.pipeline_mode<synchronous>, transform_indices = @transform_19, window_bounds = array<i64: 784, 128>}, {pipeline_mode = #tpu.pipeline_mode<synchronous>, transform_indices = @transform_20, window_bounds = array<i64: 784, 128>}, {transform_indices = @transform_21, window_bounds = array<i64: 784, 128>}]} {
    %jit3A = arith.constant 8 : i32
    %eq3A = arith.constant 0 : i32
    %eq3A_0 = arith.cmpi eq, %jit3A, %eq3A : i32
    %jit3A_1 = arith.constant 1 : i32
    %select_n3A = arith.select %eq3A_0, %jit3A_1, %jit3A : i32
    %rem3A = arith.remsi %arg0, %select_n3A : i32
    %ne3A = arith.constant 0 : i32
    %ne3A_2 = arith.cmpi ne, %rem3A, %ne3A : i32
    %lt3A = arith.constant 0 : i32
    %lt3A_3 = arith.cmpi slt, %rem3A, %lt3A : i32
    %lt3A_4 = arith.constant 0 : i32
    %lt3A_5 = arith.cmpi slt, %select_n3A, %lt3A_4 : i32
    %ne3A_6 = arith.xori %lt3A_3, %lt3A_5 : i1
    %and3A = arith.andi %ne3A_6, %ne3A_2 : i1
    %add3A = arith.addi %rem3A, %select_n3A : i32
    %select_n3A_7 = arith.select %and3A, %add3A, %rem3A : i32
    %mul3A = arith.constant 784 : i32
    %mul3A_8 = arith.muli %select_n3A_7, %mul3A : i32
    %multiple_of3A = tpu.assume_multiple %mul3A_8, 784 : i32
    %lt3A_9 = arith.constant 8 : i32
    %lt3A_10 = arith.cmpi slt, %arg0, %lt3A_9 : i32
    %convert_element_type3A = arith.extui %lt3A_10 : i1 to i32
    %cond3A = arith.constant 0 : i32
    %cond3A_11 = arith.cmpi ne, %convert_element_type3A, %cond3A : i32
    scf.if %cond3A_11 {
      %get3A = arith.constant 0 : index
      %get3A_32 = arith.constant 0 : index
      %get3A_33 = arith.constant 0 : index
      %get3A_34 = vector.load %arg1[%get3A, %get3A_32, %get3A_33] : memref<4x1024x196xf32, #tpu.memory_space<vmem>>, vector<4x1024x196xf32>
      %slice3A = vector.extract_strided_slice %get3A_34 {offsets = [0, 0, 0], sizes = [1, 1024, 196], strides = [1, 1, 1]} : vector<4x1024x196xf32> to vector<1x1024x196xf32>
      %squeeze3A = vector.shape_cast %slice3A : vector<1x1024x196xf32> to vector<1024x196xf32>
      %slice3A_35 = vector.extract_strided_slice %get3A_34 {offsets = [1, 0, 0], sizes = [1, 1024, 196], strides = [1, 1, 1]} : vector<4x1024x196xf32> to vector<1x1024x196xf32>
      %squeeze3A_36 = vector.shape_cast %slice3A_35 : vector<1x1024x196xf32> to vector<1024x196xf32>
      %slice3A_37 = vector.extract_strided_slice %get3A_34 {offsets = [2, 0, 0], sizes = [1, 1024, 196], strides = [1, 1, 1]} : vector<4x1024x196xf32> to vector<1x1024x196xf32>
      %squeeze3A_38 = vector.shape_cast %slice3A_37 : vector<1x1024x196xf32> to vector<1024x196xf32>
      %slice3A_39 = vector.extract_strided_slice %get3A_34 {offsets = [3, 0, 0], sizes = [1, 1024, 196], strides = [1, 1, 1]} : vector<4x1024x196xf32> to vector<1x1024x196xf32>
      %squeeze3A_40 = vector.shape_cast %slice3A_39 : vector<1x1024x196xf32> to vector<1024x196xf32>
      %concatenate3A = tpu.concatenate %squeeze3A, %squeeze3A_36, %squeeze3A_38, %squeeze3A_40 in 1 : vector<1024x196xf32>, vector<1024x196xf32>, vector<1024x196xf32>, vector<1024x196xf32> -> vector<1024x784xf32>
      %mul3A_41 = arith.mulf %concatenate3A, %concatenate3A : vector<1024x784xf32>
      %reduce_sum3A = arith.constant dense<0.000000e+00> : vector<784xf32>
      %reduce_sum3A_42 = vector.multi_reduction <add>, %mul3A_41, %reduce_sum3A [0] : vector<1024x784xf32> to vector<784xf32>
      %broadcast_in_dim3A = vector.shape_cast %reduce_sum3A_42 : vector<784xf32> to vector<1x784xf32>
      %sqrt3A = math.sqrt %broadcast_in_dim3A : vector<1x784xf32>
      %max3A = arith.constant 9.99999996E-13 : f32
      %max3A_43 = vector.broadcast %max3A : f32 to vector<1x784xf32>
      %max3A_44 = arith.maximumf %sqrt3A, %max3A_43 : vector<1x784xf32>
      %div3A = vector.broadcast %max3A_44 : vector<1x784xf32> to vector<1024x784xf32>
      %div3A_45 = arith.divf %concatenate3A, %div3A : vector<1024x784xf32>
      %convert_element_type3A_46 = arith.truncf %div3A_45 : vector<1024x784xf32> to vector<1024x784xbf16>
      %get3A_47 = arith.constant 0 : index
      %get3A_48 = arith.constant 0 : index
      %get3A_49 = vector.load %arg2[%get3A_47, %get3A_48] : memref<1024x1152xbf16, #tpu.memory_space<vmem>>, vector<1024x1152xbf16>
      %dot_general3A = arith.constant dense<0.000000e+00> : vector<784x1152xf32>
      %dot_general3A_50 = tpu.matmul %convert_element_type3A_46, %get3A_49, %dot_general3A {dimension_numbers = #tpu.dot_dimension_numbers<[0], [0], [1], [1], [0, 1, 1, 1], [], []>, transpose_lhs_hint = false} : vector<1024x784xbf16>, vector<1024x1152xbf16>, vector<784x1152xf32> -> vector<784x1152xf32>
      %slice3A_51 = vector.extract_strided_slice %dot_general3A_50 {offsets = [0, 0], sizes = [784, 128], strides = [1, 1]} : vector<784x1152xf32> to vector<784x128xf32>
      %roll3A = arith.constant 15 : i32
      %roll3A_52 = tpu.dynamic_rotate %slice3A_51 by %roll3A dim 0 : vector<784x128xf32>, i32 -> vector<784x128xf32>
      %get3A_53 = arith.constant 0 : index
      %get3A_54 = arith.constant 0 : index
      %get3A_55 = vector.load %arg18[%get3A_53, %get3A_54] : memref<784x128xf32, #tpu.memory_space<vmem>>, vector<784x128xf32>
      %mul3A_56 = arith.mulf %roll3A_52, %get3A_55 : vector<784x128xf32>
      %get3A_57 = arith.constant 0 : index
      %get3A_58 = arith.constant 0 : index
      %get3A_59 = vector.load %arg20[%get3A_57, %get3A_58] : memref<784x128xf32, #tpu.memory_space<vmem>>, vector<784x128xf32>
      %mul3A_60 = arith.mulf %mul3A_56, %get3A_59 : vector<784x128xf32>
      %slice3A_61 = vector.extract_strided_slice %dot_general3A_50 {offsets = [0, 128], sizes = [784, 128], strides = [1, 1]} : vector<784x1152xf32> to vector<784x128xf32>
      %roll3A_62 = arith.constant 14 : i32
      %roll3A_63 = tpu.dynamic_rotate %slice3A_61 by %roll3A_62 dim 0 : vector<784x128xf32>, i32 -> vector<784x128xf32>
      %get3A_64 = arith.constant 0 : index
      %get3A_65 = arith.constant 0 : index
      %get3A_66 = vector.load %arg18[%get3A_64, %get3A_65] : memref<784x128xf32, #tpu.memory_space<vmem>>, vector<784x128xf32>
      %mul3A_67 = arith.mulf %roll3A_63, %get3A_66 : vector<784x128xf32>
      %add3A_68 = arith.addf %mul3A_60, %mul3A_67 : vector<784x128xf32>
      %slice3A_69 = vector.extract_strided_slice %dot_general3A_50 {offsets = [0, 256], sizes = [784, 128], strides = [1, 1]} : vector<784x1152xf32> to vector<784x128xf32>
      %roll3A_70 = arith.constant 13 : i32
      %roll3A_71 = tpu.dynamic_rotate %slice3A_69 by %roll3A_70 dim 0 : vector<784x128xf32>, i32 -> vector<784x128xf32>
      %get3A_72 = arith.constant 0 : index
      %get3A_73 = arith.constant 0 : index
      %get3A_74 = vector.load %arg18[%get3A_72, %get3A_73] : memref<784x128xf32, #tpu.memory_space<vmem>>, vector<784x128xf32>
      %mul3A_75 = arith.mulf %roll3A_71, %get3A_74 : vector<784x128xf32>
      %get3A_76 = arith.constant 0 : index
      %get3A_77 = arith.constant 0 : index
      %get3A_78 = vector.load %arg21[%get3A_76, %get3A_77] : memref<784x128xf32, #tpu.memory_space<vmem>>, vector<784x128xf32>
      %mul3A_79 = arith.mulf %mul3A_75, %get3A_78 : vector<784x128xf32>
      %add3A_80 = arith.addf %add3A_68, %mul3A_79 : vector<784x128xf32>
      %slice3A_81 = vector.extract_strided_slice %dot_general3A_50 {offsets = [0, 384], sizes = [784, 128], strides = [1, 1]} : vector<784x1152xf32> to vector<784x128xf32>
      %roll3A_82 = arith.constant 1 : i32
      %roll3A_83 = tpu.dynamic_rotate %slice3A_81 by %roll3A_82 dim 0 : vector<784x128xf32>, i32 -> vector<784x128xf32>
      %get3A_84 = arith.constant 0 : index
      %get3A_85 = arith.constant 0 : index
      %get3A_86 = vector.load %arg20[%get3A_84, %get3A_85] : memref<784x128xf32, #tpu.memory_space<vmem>>, vector<784x128xf32>
      %mul3A_87 = arith.mulf %roll3A_83, %get3A_86 : vector<784x128xf32>
      %add3A_88 = arith.addf %add3A_80, %mul3A_87 : vector<784x128xf32>
      %slice3A_89 = vector.extract_strided_slice %dot_general3A_50 {offsets = [0, 512], sizes = [784, 128], strides = [1, 1]} : vector<784x1152xf32> to vector<784x128xf32>
      %roll3A_90 = arith.constant 0 : i32
      %roll3A_91 = tpu.dynamic_rotate %slice3A_89 by %roll3A_90 dim 0 : vector<784x128xf32>, i32 -> vector<784x128xf32>
      %add3A_92 = arith.addf %add3A_88, %roll3A_91 : vector<784x128xf32>
      %slice3A_93 = vector.extract_strided_slice %dot_general3A_50 {offsets = [0, 640], sizes = [784, 128], strides = [1, 1]} : vector<784x1152xf32> to vector<784x128xf32>
      %roll3A_94 = arith.constant 783 : i32
      %roll3A_95 = tpu.dynamic_rotate %slice3A_93 by %roll3A_94 dim 0 : vector<784x128xf32>, i32 -> vector<784x128xf32>
      %get3A_96 = arith.constant 0 : index
      %get3A_97 = arith.constant 0 : index
      %get3A_98 = vector.load %arg21[%get3A_96, %get3A_97] : memref<784x128xf32, #tpu.memory_space<vmem>>, vector<784x128xf32>
      %mul3A_99 = arith.mulf %roll3A_95, %get3A_98 : vector<784x128xf32>
      %add3A_100 = arith.addf %add3A_92, %mul3A_99 : vector<784x128xf32>
      %slice3A_101 = vector.extract_strided_slice %dot_general3A_50 {offsets = [0, 768], sizes = [784, 128], strides = [1, 1]} : vector<784x1152xf32> to vector<784x128xf32>
      %roll3A_102 = arith.constant 771 : i32
      %roll3A_103 = tpu.dynamic_rotate %slice3A_101 by %roll3A_102 dim 0 : vector<784x128xf32>, i32 -> vector<784x128xf32>
      %get3A_104 = arith.constant 0 : index
      %get3A_105 = arith.constant 0 : index
      %get3A_106 = vector.load %arg19[%get3A_104, %get3A_105] : memref<784x128xf32, #tpu.memory_space<vmem>>, vector<784x128xf32>
      %mul3A_107 = arith.mulf %roll3A_103, %get3A_106 : vector<784x128xf32>
      %get3A_108 = arith.constant 0 : index
      %get3A_109 = arith.constant 0 : index
      %get3A_110 = vector.load %arg20[%get3A_108, %get3A_109] : memref<784x128xf32, #tpu.memory_space<vmem>>, vector<784x128xf32>
      %mul3A_111 = arith.mulf %mul3A_107, %get3A_110 : vector<784x128xf32>
      %add3A_112 = arith.addf %add3A_100, %mul3A_111 : vector<784x128xf32>
      %slice3A_113 = vector.extract_strided_slice %dot_general3A_50 {offsets = [0, 896], sizes = [784, 128], strides = [1, 1]} : vector<784x1152xf32> to vector<784x128xf32>
      %roll3A_114 = arith.constant 770 : i32
      %roll3A_115 = tpu.dynamic_rotate %slice3A_113 by %roll3A_114 dim 0 : vector<784x128xf32>, i32 -> vector<784x128xf32>
      %get3A_116 = arith.constant 0 : index
      %get3A_117 = arith.constant 0 : index
      %get3A_118 = vector.load %arg19[%get3A_116, %get3A_117] : memref<784x128xf32, #tpu.memory_space<vmem>>, vector<784x128xf32>
      %mul3A_119 = arith.mulf %roll3A_115, %get3A_118 : vector<784x128xf32>
      %add3A_120 = arith.addf %add3A_112, %mul3A_119 : vector<784x128xf32>
      %slice3A_121 = vector.extract_strided_slice %dot_general3A_50 {offsets = [0, 1024], sizes = [784, 128], strides = [1, 1]} : vector<784x1152xf32> to vector<784x128xf32>
      %roll3A_122 = arith.constant 769 : i32
      %roll3A_123 = tpu.dynamic_rotate %slice3A_121 by %roll3A_122 dim 0 : vector<784x128xf32>, i32 -> vector<784x128xf32>
      %get3A_124 = arith.constant 0 : index
      %get3A_125 = arith.constant 0 : index
      %get3A_126 = vector.load %arg19[%get3A_124, %get3A_125] : memref<784x128xf32, #tpu.memory_space<vmem>>, vector<784x128xf32>
      %mul3A_127 = arith.mulf %roll3A_123, %get3A_126 : vector<784x128xf32>
      %get3A_128 = arith.constant 0 : index
      %get3A_129 = arith.constant 0 : index
      %get3A_130 = vector.load %arg21[%get3A_128, %get3A_129] : memref<784x128xf32, #tpu.memory_space<vmem>>, vector<784x128xf32>
      %mul3A_131 = arith.mulf %mul3A_127, %get3A_130 : vector<784x128xf32>
      %add3A_132 = arith.addf %add3A_120, %mul3A_131 : vector<784x128xf32>
      %get3A_133 = arith.constant 0 : index
      %get3A_134 = arith.constant 0 : index
      %get3A_135 = vector.load %arg3[%get3A_133, %get3A_134] : memref<196x24xf32, #tpu.memory_space<vmem>>, vector<196x24xf32>
      %get3A_136 = arith.constant 0 : index
      %get3A_137 = arith.constant 0 : index
      %get3A_138 = vector.load %arg4[%get3A_136, %get3A_137] : memref<24x128xf32, #tpu.memory_space<vmem>>, vector<24x128xf32>
      %dot_general3A_139 = arith.constant dense<0.000000e+00> : vector<196x128xf32>
      %dot_general3A_140 = tpu.matmul %get3A_135, %get3A_138, %dot_general3A_139 {dimension_numbers = #tpu.dot_dimension_numbers<[1], [0], [0], [1], [0, 0, 1, 1], [], []>, transpose_lhs_hint = false} : vector<196x24xf32>, vector<24x128xf32>, vector<196x128xf32> -> vector<196x128xf32>
      %concatenate3A_141 = tpu.concatenate %dot_general3A_140, %dot_general3A_140, %dot_general3A_140, %dot_general3A_140 in 0 : vector<196x128xf32>, vector<196x128xf32>, vector<196x128xf32>, vector<196x128xf32> -> vector<784x128xf32>
      %add3A_142 = arith.addf %add3A_132, %concatenate3A_141 : vector<784x128xf32>
      %swap3A = arith.index_cast %multiple_of3A : i32 to index
      %swap3A_143 = arith.constant 0 : index
      %swap3A_144 = vector.load %arg23[%swap3A, %swap3A_143] : memref<6272x128xf32, #tpu.memory_space<vmem>>, vector<784x128xf32>
      tpu.vector_store %arg23[%swap3A, %swap3A_143], %add3A_142 {strides = array<i32>} : memref<6272x128xf32, #tpu.memory_space<vmem>>, vector<784x128xf32>,
      %reduce_sum3A_145 = arith.constant dense<0.000000e+00> : vector<128xf32>
      %reduce_sum3A_146 = vector.multi_reduction <add>, %add3A_142, %reduce_sum3A_145 [0] : vector<784x128xf32> to vector<128xf32>
      %broadcast_in_dim3A_147 = vector.shape_cast %reduce_sum3A_146 : vector<128xf32> to vector<1x128xf32>
      %broadcast_in_dim3A_148 = vector.shape_cast %broadcast_in_dim3A_147 : vector<1x128xf32> to vector<1x128xf32>
      %broadcast_in_dim3A_149 = vector.broadcast %broadcast_in_dim3A_148 : vector<1x128xf32> to vector<8x128xf32>
      %mul3A_150 = arith.mulf %add3A_142, %add3A_142 : vector<784x128xf32>
      %reduce_sum3A_151 = arith.constant dense<0.000000e+00> : vector<128xf32>
      %reduce_sum3A_152 = vector.multi_reduction <add>, %mul3A_150, %reduce_sum3A_151 [0] : vector<784x128xf32> to vector<128xf32>
      %broadcast_in_dim3A_153 = vector.shape_cast %reduce_sum3A_152 : vector<128xf32> to vector<1x128xf32>
      %broadcast_in_dim3A_154 = vector.shape_cast %broadcast_in_dim3A_153 : vector<1x128xf32> to vector<1x128xf32>
      %broadcast_in_dim3A_155 = vector.broadcast %broadcast_in_dim3A_154 : vector<1x128xf32> to vector<8x128xf32>
      %eq3A_156 = arith.constant 0 : i32
      %eq3A_157 = arith.cmpi eq, %arg0, %eq3A_156 : i32
      %convert_element_type3A_158 = arith.extui %eq3A_157 : i1 to i32
      %cond3A_159 = arith.constant 0 : i32
      %cond3A_160 = arith.cmpi ne, %convert_element_type3A_158, %cond3A_159 : i32
      scf.if %cond3A_160 {
        %swap3A_166 = arith.constant 0 : index
        %swap3A_167 = arith.constant 0 : index
        %swap3A_168 = vector.load %arg27[%swap3A_166, %swap3A_167] : memref<8x128xf32, #tpu.memory_space<vmem>>, vector<8x128xf32>
        tpu.vector_store %arg27[%swap3A_166, %swap3A_167], %broadcast_in_dim3A_149 {strides = array<i32>} : memref<8x128xf32, #tpu.memory_space<vmem>>, vector<8x128xf32>,
        %swap3A_169 = arith.constant 0 : index
        %swap3A_170 = arith.constant 0 : index
        %swap3A_171 = vector.load %arg28[%swap3A_169, %swap3A_170] : memref<8x128xf32, #tpu.memory_space<vmem>>, vector<8x128xf32>
        tpu.vector_store %arg28[%swap3A_169, %swap3A_170], %broadcast_in_dim3A_155 {strides = array<i32>} : memref<8x128xf32, #tpu.memory_space<vmem>>, vector<8x128xf32>,
      } else {
      }
      %ne3A_161 = arith.constant 0 : i32
      %ne3A_162 = arith.cmpi ne, %arg0, %ne3A_161 : i32
      %convert_element_type3A_163 = arith.extui %ne3A_162 : i1 to i32
      %cond3A_164 = arith.constant 0 : i32
      %cond3A_165 = arith.cmpi ne, %convert_element_type3A_163, %cond3A_164 : i32
      scf.if %cond3A_165 {
        %get3A_166 = arith.constant 0 : index
        %get3A_167 = arith.constant 0 : index
        %get3A_168 = vector.load %arg27[%get3A_166, %get3A_167] : memref<8x128xf32, #tpu.memory_space<vmem>>, vector<8x128xf32>
        %add3A_169 = arith.addf %get3A_168, %broadcast_in_dim3A_149 : vector<8x128xf32>
        %swap3A_170 = arith.constant 0 : index
        %swap3A_171 = arith.constant 0 : index
        %swap3A_172 = vector.load %arg27[%swap3A_170, %swap3A_171] : memref<8x128xf32, #tpu.memory_space<vmem>>, vector<8x128xf32>
        tpu.vector_store %arg27[%swap3A_170, %swap3A_171], %add3A_169 {strides = array<i32>} : memref<8x128xf32, #tpu.memory_space<vmem>>, vector<8x128xf32>,
        %get3A_173 = arith.constant 0 : index
        %get3A_174 = arith.constant 0 : index
        %get3A_175 = vector.load %arg28[%get3A_173, %get3A_174] : memref<8x128xf32, #tpu.memory_space<vmem>>, vector<8x128xf32>
        %add3A_176 = arith.addf %get3A_175, %broadcast_in_dim3A_155 : vector<8x128xf32>
        %swap3A_177 = arith.constant 0 : index
        %swap3A_178 = arith.constant 0 : index
        %swap3A_179 = vector.load %arg28[%swap3A_177, %swap3A_178] : memref<8x128xf32, #tpu.memory_space<vmem>>, vector<8x128xf32>
        tpu.vector_store %arg28[%swap3A_177, %swap3A_178], %add3A_176 {strides = array<i32>} : memref<8x128xf32, #tpu.memory_space<vmem>>, vector<8x128xf32>,
      } else {
      }
    } else {
    }
    %ge3A = arith.constant 8 : i32
    %ge3A_12 = arith.cmpi sge, %arg0, %ge3A : i32
    %lt3A_13 = arith.constant 16 : i32
    %lt3A_14 = arith.cmpi slt, %arg0, %lt3A_13 : i32
    %and3A_15 = arith.andi %ge3A_12, %lt3A_14 : i1
    %convert_element_type3A_16 = arith.extui %and3A_15 : i1 to i32
    %cond3A_17 = arith.constant 0 : i32
    %cond3A_18 = arith.cmpi ne, %convert_element_type3A_16, %cond3A_17 : i32
    scf.if %cond3A_18 {
      %get3A = arith.index_cast %multiple_of3A : i32 to index
      %get3A_32 = arith.constant 0 : index
      %get3A_33 = vector.load %arg23[%get3A, %get3A_32] : memref<6272x128xf32, #tpu.memory_space<vmem>>, vector<784x128xf32>
      %get3A_34 = arith.constant 0 : index
      %get3A_35 = arith.constant 0 : index
      %get3A_36 = vector.load %arg27[%get3A_34, %get3A_35] : memref<8x128xf32, #tpu.memory_space<vmem>>, vector<1x128xf32>
      %div3A = arith.constant 6.272000e+03 : f32
      %div3A_37 = vector.broadcast %div3A : f32 to vector<1x128xf32>
      %div3A_38 = arith.divf %get3A_36, %div3A_37 : vector<1x128xf32>
      %get3A_39 = arith.constant 0 : index
      %get3A_40 = arith.constant 0 : index
      %get3A_41 = vector.load %arg28[%get3A_39, %get3A_40] : memref<8x128xf32, #tpu.memory_space<vmem>>, vector<1x128xf32>
      %div3A_42 = arith.constant 6.272000e+03 : f32
      %div3A_43 = vector.broadcast %div3A_42 : f32 to vector<1x128xf32>
      %div3A_44 = arith.divf %get3A_41, %div3A_43 : vector<1x128xf32>
      %mul3A_45 = arith.mulf %div3A_38, %div3A_38 : vector<1x128xf32>
      %sub3A = arith.subf %div3A_44, %mul3A_45 : vector<1x128xf32>
      %sub3A_46 = vector.broadcast %div3A_38 : vector<1x128xf32> to vector<784x128xf32>
      %sub3A_47 = arith.subf %get3A_33, %sub3A_46 : vector<784x128xf32>
      %add3A_48 = arith.constant 9.99999974E-6 : f32
      %add3A_49 = vector.broadcast %add3A_48 : f32 to vector<1x128xf32>
      %add3A_50 = arith.addf %sub3A, %add3A_49 : vector<1x128xf32>
      %sqrt3A = math.sqrt %add3A_50 : vector<1x128xf32>
      %div3A_51 = vector.broadcast %sqrt3A : vector<1x128xf32> to vector<784x128xf32>
      %div3A_52 = arith.divf %sub3A_47, %div3A_51 : vector<784x128xf32>
      %get3A_53 = arith.constant 0 : index
      %get3A_54 = arith.constant 0 : index
      %get3A_55 = vector.load %arg12[%get3A_53, %get3A_54] : memref<8x128xf32, #tpu.memory_space<vmem>>, vector<1x128xf32>
      %mul3A_56 = vector.broadcast %get3A_55 : vector<1x128xf32> to vector<784x128xf32>
      %mul3A_57 = arith.mulf %div3A_52, %mul3A_56 : vector<784x128xf32>
      %get3A_58 = arith.constant 0 : index
      %get3A_59 = arith.constant 0 : index
      %get3A_60 = vector.load %arg13[%get3A_58, %get3A_59] : memref<8x128xf32, #tpu.memory_space<vmem>>, vector<1x128xf32>
      %add3A_61 = vector.broadcast %get3A_60 : vector<1x128xf32> to vector<784x128xf32>
      %add3A_62 = arith.addf %mul3A_57, %add3A_61 : vector<784x128xf32>
      %max3A = arith.constant 0.000000e+00 : f32
      %max3A_63 = vector.broadcast %max3A : f32 to vector<784x128xf32>
      %max3A_64 = arith.maximumf %add3A_62, %max3A_63 : vector<784x128xf32>
      %get3A_65 = arith.constant 0 : index
      %get3A_66 = arith.constant 0 : index
      %get3A_67 = vector.load %arg7[%get3A_65, %get3A_66] : memref<128x128xf32, #tpu.memory_space<vmem>>, vector<128x128xf32>
      %dot_general3A = arith.constant dense<0.000000e+00> : vector<784x128xf32>
      %dot_general3A_68 = tpu.matmul %max3A_64, %get3A_67, %dot_general3A {dimension_numbers = #tpu.dot_dimension_numbers<[1], [0], [0], [1], [0, 0, 1, 1], [], []>, transpose_lhs_hint = false} : vector<784x128xf32>, vector<128x128xf32>, vector<784x128xf32> -> vector<784x128xf32>
      %get3A_69 = arith.constant 0 : index
      %get3A_70 = arith.constant 0 : index
      %get3A_71 = vector.load %arg5[%get3A_69, %get3A_70] : memref<196x8xf32, #tpu.memory_space<vmem>>, vector<196x8xf32>
      %get3A_72 = arith.constant 0 : index
      %get3A_73 = arith.constant 0 : index
      %get3A_74 = vector.load %arg6[%get3A_72, %get3A_73] : memref<8x128xf32, #tpu.memory_space<vmem>>, vector<8x128xf32>
      %dot_general3A_75 = arith.constant dense<0.000000e+00> : vector<196x128xf32>
      %dot_general3A_76 = tpu.matmul %get3A_71, %get3A_74, %dot_general3A_75 {dimension_numbers = #tpu.dot_dimension_numbers<[1], [0], [0], [1], [0, 0, 1, 1], [], []>, transpose_lhs_hint = false} : vector<196x8xf32>, vector<8x128xf32>, vector<196x128xf32> -> vector<196x128xf32>
      %concatenate3A = tpu.concatenate %dot_general3A_76, %dot_general3A_76, %dot_general3A_76, %dot_general3A_76 in 0 : vector<196x128xf32>, vector<196x128xf32>, vector<196x128xf32>, vector<196x128xf32> -> vector<784x128xf32>
      %add3A_77 = arith.addf %dot_general3A_68, %concatenate3A : vector<784x128xf32>
      %max3A_78 = arith.constant 0.000000e+00 : f32
      %max3A_79 = vector.broadcast %max3A_78 : f32 to vector<784x128xf32>
      %max3A_80 = arith.maximumf %add3A_77, %max3A_79 : vector<784x128xf32>
      %swap3A = arith.index_cast %multiple_of3A : i32 to index
      %swap3A_81 = arith.constant 0 : index
      %swap3A_82 = vector.load %arg24[%swap3A, %swap3A_81] : memref<6272x128xf32, #tpu.memory_space<vmem>>, vector<784x128xf32>
      tpu.vector_store %arg24[%swap3A, %swap3A_81], %max3A_80 {strides = array<i32>} : memref<6272x128xf32, #tpu.memory_space<vmem>>, vector<784x128xf32>,
      %get3A_83 = arith.constant 0 : index
      %get3A_84 = arith.constant 0 : index
      %get3A_85 = vector.load %arg8[%get3A_83, %get3A_84] : memref<128x1152xf32, #tpu.memory_space<vmem>>, vector<128x1152xf32>
      %dot_general3A_86 = arith.constant dense<0.000000e+00> : vector<784x1152xf32>
      %dot_general3A_87 = tpu.matmul %max3A_80, %get3A_85, %dot_general3A_86 {dimension_numbers = #tpu.dot_dimension_numbers<[1], [0], [0], [1], [0, 0, 1, 1], [], []>, transpose_lhs_hint = false} : vector<784x128xf32>, vector<128x1152xf32>, vector<784x1152xf32> -> vector<784x1152xf32>
      %slice3A = vector.extract_strided_slice %dot_general3A_87 {offsets = [0, 0], sizes = [784, 128], strides = [1, 1]} : vector<784x1152xf32> to vector<784x128xf32>
      %roll3A = arith.constant 15 : i32
      %roll3A_88 = tpu.dynamic_rotate %slice3A by %roll3A dim 0 : vector<784x128xf32>, i32 -> vector<784x128xf32>
      %get3A_89 = arith.constant 0 : index
      %get3A_90 = arith.constant 0 : index
      %get3A_91 = vector.load %arg18[%get3A_89, %get3A_90] : memref<784x128xf32, #tpu.memory_space<vmem>>, vector<784x128xf32>
      %mul3A_92 = arith.mulf %roll3A_88, %get3A_91 : vector<784x128xf32>
      %get3A_93 = arith.constant 0 : index
      %get3A_94 = arith.constant 0 : index
      %get3A_95 = vector.load %arg20[%get3A_93, %get3A_94] : memref<784x128xf32, #tpu.memory_space<vmem>>, vector<784x128xf32>
      %mul3A_96 = arith.mulf %mul3A_92, %get3A_95 : vector<784x128xf32>
      %slice3A_97 = vector.extract_strided_slice %dot_general3A_87 {offsets = [0, 128], sizes = [784, 128], strides = [1, 1]} : vector<784x1152xf32> to vector<784x128xf32>
      %roll3A_98 = arith.constant 14 : i32
      %roll3A_99 = tpu.dynamic_rotate %slice3A_97 by %roll3A_98 dim 0 : vector<784x128xf32>, i32 -> vector<784x128xf32>
      %get3A_100 = arith.constant 0 : index
      %get3A_101 = arith.constant 0 : index
      %get3A_102 = vector.load %arg18[%get3A_100, %get3A_101] : memref<784x128xf32, #tpu.memory_space<vmem>>, vector<784x128xf32>
      %mul3A_103 = arith.mulf %roll3A_99, %get3A_102 : vector<784x128xf32>
      %add3A_104 = arith.addf %mul3A_96, %mul3A_103 : vector<784x128xf32>
      %slice3A_105 = vector.extract_strided_slice %dot_general3A_87 {offsets = [0, 256], sizes = [784, 128], strides = [1, 1]} : vector<784x1152xf32> to vector<784x128xf32>
      %roll3A_106 = arith.constant 13 : i32
      %roll3A_107 = tpu.dynamic_rotate %slice3A_105 by %roll3A_106 dim 0 : vector<784x128xf32>, i32 -> vector<784x128xf32>
      %get3A_108 = arith.constant 0 : index
      %get3A_109 = arith.constant 0 : index
      %get3A_110 = vector.load %arg18[%get3A_108, %get3A_109] : memref<784x128xf32, #tpu.memory_space<vmem>>, vector<784x128xf32>
      %mul3A_111 = arith.mulf %roll3A_107, %get3A_110 : vector<784x128xf32>
      %get3A_112 = arith.constant 0 : index
      %get3A_113 = arith.constant 0 : index
      %get3A_114 = vector.load %arg21[%get3A_112, %get3A_113] : memref<784x128xf32, #tpu.memory_space<vmem>>, vector<784x128xf32>
      %mul3A_115 = arith.mulf %mul3A_111, %get3A_114 : vector<784x128xf32>
      %add3A_116 = arith.addf %add3A_104, %mul3A_115 : vector<784x128xf32>
      %slice3A_117 = vector.extract_strided_slice %dot_general3A_87 {offsets = [0, 384], sizes = [784, 128], strides = [1, 1]} : vector<784x1152xf32> to vector<784x128xf32>
      %roll3A_118 = arith.constant 1 : i32
      %roll3A_119 = tpu.dynamic_rotate %slice3A_117 by %roll3A_118 dim 0 : vector<784x128xf32>, i32 -> vector<784x128xf32>
      %get3A_120 = arith.constant 0 : index
      %get3A_121 = arith.constant 0 : index
      %get3A_122 = vector.load %arg20[%get3A_120, %get3A_121] : memref<784x128xf32, #tpu.memory_space<vmem>>, vector<784x128xf32>
      %mul3A_123 = arith.mulf %roll3A_119, %get3A_122 : vector<784x128xf32>
      %add3A_124 = arith.addf %add3A_116, %mul3A_123 : vector<784x128xf32>
      %slice3A_125 = vector.extract_strided_slice %dot_general3A_87 {offsets = [0, 512], sizes = [784, 128], strides = [1, 1]} : vector<784x1152xf32> to vector<784x128xf32>
      %roll3A_126 = arith.constant 0 : i32
      %roll3A_127 = tpu.dynamic_rotate %slice3A_125 by %roll3A_126 dim 0 : vector<784x128xf32>, i32 -> vector<784x128xf32>
      %add3A_128 = arith.addf %add3A_124, %roll3A_127 : vector<784x128xf32>
      %slice3A_129 = vector.extract_strided_slice %dot_general3A_87 {offsets = [0, 640], sizes = [784, 128], strides = [1, 1]} : vector<784x1152xf32> to vector<784x128xf32>
      %roll3A_130 = arith.constant 783 : i32
      %roll3A_131 = tpu.dynamic_rotate %slice3A_129 by %roll3A_130 dim 0 : vector<784x128xf32>, i32 -> vector<784x128xf32>
      %get3A_132 = arith.constant 0 : index
      %get3A_133 = arith.constant 0 : index
      %get3A_134 = vector.load %arg21[%get3A_132, %get3A_133] : memref<784x128xf32, #tpu.memory_space<vmem>>, vector<784x128xf32>
      %mul3A_135 = arith.mulf %roll3A_131, %get3A_134 : vector<784x128xf32>
      %add3A_136 = arith.addf %add3A_128, %mul3A_135 : vector<784x128xf32>
      %slice3A_137 = vector.extract_strided_slice %dot_general3A_87 {offsets = [0, 768], sizes = [784, 128], strides = [1, 1]} : vector<784x1152xf32> to vector<784x128xf32>
      %roll3A_138 = arith.constant 771 : i32
      %roll3A_139 = tpu.dynamic_rotate %slice3A_137 by %roll3A_138 dim 0 : vector<784x128xf32>, i32 -> vector<784x128xf32>
      %get3A_140 = arith.constant 0 : index
      %get3A_141 = arith.constant 0 : index
      %get3A_142 = vector.load %arg19[%get3A_140, %get3A_141] : memref<784x128xf32, #tpu.memory_space<vmem>>, vector<784x128xf32>
      %mul3A_143 = arith.mulf %roll3A_139, %get3A_142 : vector<784x128xf32>
      %get3A_144 = arith.constant 0 : index
      %get3A_145 = arith.constant 0 : index
      %get3A_146 = vector.load %arg20[%get3A_144, %get3A_145] : memref<784x128xf32, #tpu.memory_space<vmem>>, vector<784x128xf32>
      %mul3A_147 = arith.mulf %mul3A_143, %get3A_146 : vector<784x128xf32>
      %add3A_148 = arith.addf %add3A_136, %mul3A_147 : vector<784x128xf32>
      %slice3A_149 = vector.extract_strided_slice %dot_general3A_87 {offsets = [0, 896], sizes = [784, 128], strides = [1, 1]} : vector<784x1152xf32> to vector<784x128xf32>
      %roll3A_150 = arith.constant 770 : i32
      %roll3A_151 = tpu.dynamic_rotate %slice3A_149 by %roll3A_150 dim 0 : vector<784x128xf32>, i32 -> vector<784x128xf32>
      %get3A_152 = arith.constant 0 : index
      %get3A_153 = arith.constant 0 : index
      %get3A_154 = vector.load %arg19[%get3A_152, %get3A_153] : memref<784x128xf32, #tpu.memory_space<vmem>>, vector<784x128xf32>
      %mul3A_155 = arith.mulf %roll3A_151, %get3A_154 : vector<784x128xf32>
      %add3A_156 = arith.addf %add3A_148, %mul3A_155 : vector<784x128xf32>
      %slice3A_157 = vector.extract_strided_slice %dot_general3A_87 {offsets = [0, 1024], sizes = [784, 128], strides = [1, 1]} : vector<784x1152xf32> to vector<784x128xf32>
      %roll3A_158 = arith.constant 769 : i32
      %roll3A_159 = tpu.dynamic_rotate %slice3A_157 by %roll3A_158 dim 0 : vector<784x128xf32>, i32 -> vector<784x128xf32>
      %get3A_160 = arith.constant 0 : index
      %get3A_161 = arith.constant 0 : index
      %get3A_162 = vector.load %arg19[%get3A_160, %get3A_161] : memref<784x128xf32, #tpu.memory_space<vmem>>, vector<784x128xf32>
      %mul3A_163 = arith.mulf %roll3A_159, %get3A_162 : vector<784x128xf32>
      %get3A_164 = arith.constant 0 : index
      %get3A_165 = arith.constant 0 : index
      %get3A_166 = vector.load %arg21[%get3A_164, %get3A_165] : memref<784x128xf32, #tpu.memory_space<vmem>>, vector<784x128xf32>
      %mul3A_167 = arith.mulf %mul3A_163, %get3A_166 : vector<784x128xf32>
      %add3A_168 = arith.addf %add3A_156, %mul3A_167 : vector<784x128xf32>
      %swap3A_169 = arith.index_cast %multiple_of3A : i32 to index
      %swap3A_170 = arith.constant 0 : index
      %swap3A_171 = vector.load %arg25[%swap3A_169, %swap3A_170] : memref<6272x128xf32, #tpu.memory_space<vmem>>, vector<784x128xf32>
      tpu.vector_store %arg25[%swap3A_169, %swap3A_170], %add3A_168 {strides = array<i32>} : memref<6272x128xf32, #tpu.memory_space<vmem>>, vector<784x128xf32>,
      %sub3A_172 = arith.constant 8 : i32
      %sub3A_173 = arith.subi %arg0, %sub3A_172 : i32
      %reduce_sum3A = arith.constant dense<0.000000e+00> : vector<128xf32>
      %reduce_sum3A_174 = vector.multi_reduction <add>, %add3A_168, %reduce_sum3A [0] : vector<784x128xf32> to vector<128xf32>
      %broadcast_in_dim3A = vector.shape_cast %reduce_sum3A_174 : vector<128xf32> to vector<1x128xf32>
      %broadcast_in_dim3A_175 = vector.shape_cast %broadcast_in_dim3A : vector<1x128xf32> to vector<1x128xf32>
      %broadcast_in_dim3A_176 = vector.broadcast %broadcast_in_dim3A_175 : vector<1x128xf32> to vector<8x128xf32>
      %mul3A_177 = arith.mulf %add3A_168, %add3A_168 : vector<784x128xf32>
      %reduce_sum3A_178 = arith.constant dense<0.000000e+00> : vector<128xf32>
      %reduce_sum3A_179 = vector.multi_reduction <add>, %mul3A_177, %reduce_sum3A_178 [0] : vector<784x128xf32> to vector<128xf32>
      %broadcast_in_dim3A_180 = vector.shape_cast %reduce_sum3A_179 : vector<128xf32> to vector<1x128xf32>
      %broadcast_in_dim3A_181 = vector.shape_cast %broadcast_in_dim3A_180 : vector<1x128xf32> to vector<1x128xf32>
      %broadcast_in_dim3A_182 = vector.broadcast %broadcast_in_dim3A_181 : vector<1x128xf32> to vector<8x128xf32>
      %eq3A_183 = arith.constant 0 : i32
      %eq3A_184 = arith.cmpi eq, %sub3A_173, %eq3A_183 : i32
      %convert_element_type3A_185 = arith.extui %eq3A_184 : i1 to i32
      %cond3A_186 = arith.constant 0 : i32
      %cond3A_187 = arith.cmpi ne, %convert_element_type3A_185, %cond3A_186 : i32
      scf.if %cond3A_187 {
        %swap3A_193 = arith.constant 0 : index
        %swap3A_194 = arith.constant 0 : index
        %swap3A_195 = vector.load %arg29[%swap3A_193, %swap3A_194] : memref<8x128xf32, #tpu.memory_space<vmem>>, vector<8x128xf32>
        tpu.vector_store %arg29[%swap3A_193, %swap3A_194], %broadcast_in_dim3A_176 {strides = array<i32>} : memref<8x128xf32, #tpu.memory_space<vmem>>, vector<8x128xf32>,
        %swap3A_196 = arith.constant 0 : index
        %swap3A_197 = arith.constant 0 : index
        %swap3A_198 = vector.load %arg30[%swap3A_196, %swap3A_197] : memref<8x128xf32, #tpu.memory_space<vmem>>, vector<8x128xf32>
        tpu.vector_store %arg30[%swap3A_196, %swap3A_197], %broadcast_in_dim3A_182 {strides = array<i32>} : memref<8x128xf32, #tpu.memory_space<vmem>>, vector<8x128xf32>,
      } else {
      }
      %ne3A_188 = arith.constant 0 : i32
      %ne3A_189 = arith.cmpi ne, %sub3A_173, %ne3A_188 : i32
      %convert_element_type3A_190 = arith.extui %ne3A_189 : i1 to i32
      %cond3A_191 = arith.constant 0 : i32
      %cond3A_192 = arith.cmpi ne, %convert_element_type3A_190, %cond3A_191 : i32
      scf.if %cond3A_192 {
        %get3A_193 = arith.constant 0 : index
        %get3A_194 = arith.constant 0 : index
        %get3A_195 = vector.load %arg29[%get3A_193, %get3A_194] : memref<8x128xf32, #tpu.memory_space<vmem>>, vector<8x128xf32>
        %add3A_196 = arith.addf %get3A_195, %broadcast_in_dim3A_176 : vector<8x128xf32>
        %swap3A_197 = arith.constant 0 : index
        %swap3A_198 = arith.constant 0 : index
        %swap3A_199 = vector.load %arg29[%swap3A_197, %swap3A_198] : memref<8x128xf32, #tpu.memory_space<vmem>>, vector<8x128xf32>
        tpu.vector_store %arg29[%swap3A_197, %swap3A_198], %add3A_196 {strides = array<i32>} : memref<8x128xf32, #tpu.memory_space<vmem>>, vector<8x128xf32>,
        %get3A_200 = arith.constant 0 : index
        %get3A_201 = arith.constant 0 : index
        %get3A_202 = vector.load %arg30[%get3A_200, %get3A_201] : memref<8x128xf32, #tpu.memory_space<vmem>>, vector<8x128xf32>
        %add3A_203 = arith.addf %get3A_202, %broadcast_in_dim3A_182 : vector<8x128xf32>
        %swap3A_204 = arith.constant 0 : index
        %swap3A_205 = arith.constant 0 : index
        %swap3A_206 = vector.load %arg30[%swap3A_204, %swap3A_205] : memref<8x128xf32, #tpu.memory_space<vmem>>, vector<8x128xf32>
        tpu.vector_store %arg30[%swap3A_204, %swap3A_205], %add3A_203 {strides = array<i32>} : memref<8x128xf32, #tpu.memory_space<vmem>>, vector<8x128xf32>,
      } else {
      }
    } else {
    }
    %ge3A_19 = arith.constant 16 : i32
    %ge3A_20 = arith.cmpi sge, %arg0, %ge3A_19 : i32
    %lt3A_21 = arith.constant 24 : i32
    %lt3A_22 = arith.cmpi slt, %arg0, %lt3A_21 : i32
    %and3A_23 = arith.andi %ge3A_20, %lt3A_22 : i1
    %convert_element_type3A_24 = arith.extui %and3A_23 : i1 to i32
    %cond3A_25 = arith.constant 0 : i32
    %cond3A_26 = arith.cmpi ne, %convert_element_type3A_24, %cond3A_25 : i32
    scf.if %cond3A_26 {
      %get3A = arith.index_cast %multiple_of3A : i32 to index
      %get3A_32 = arith.constant 0 : index
      %get3A_33 = vector.load %arg25[%get3A, %get3A_32] : memref<6272x128xf32, #tpu.memory_space<vmem>>, vector<784x128xf32>
      %get3A_34 = arith.constant 0 : index
      %get3A_35 = arith.constant 0 : index
      %get3A_36 = vector.load %arg29[%get3A_34, %get3A_35] : memref<8x128xf32, #tpu.memory_space<vmem>>, vector<1x128xf32>
      %div3A = arith.constant 6.272000e+03 : f32
      %div3A_37 = vector.broadcast %div3A : f32 to vector<1x128xf32>
      %div3A_38 = arith.divf %get3A_36, %div3A_37 : vector<1x128xf32>
      %get3A_39 = arith.constant 0 : index
      %get3A_40 = arith.constant 0 : index
      %get3A_41 = vector.load %arg30[%get3A_39, %get3A_40] : memref<8x128xf32, #tpu.memory_space<vmem>>, vector<1x128xf32>
      %div3A_42 = arith.constant 6.272000e+03 : f32
      %div3A_43 = vector.broadcast %div3A_42 : f32 to vector<1x128xf32>
      %div3A_44 = arith.divf %get3A_41, %div3A_43 : vector<1x128xf32>
      %mul3A_45 = arith.mulf %div3A_38, %div3A_38 : vector<1x128xf32>
      %sub3A = arith.subf %div3A_44, %mul3A_45 : vector<1x128xf32>
      %sub3A_46 = vector.broadcast %div3A_38 : vector<1x128xf32> to vector<784x128xf32>
      %sub3A_47 = arith.subf %get3A_33, %sub3A_46 : vector<784x128xf32>
      %add3A_48 = arith.constant 9.99999974E-6 : f32
      %add3A_49 = vector.broadcast %add3A_48 : f32 to vector<1x128xf32>
      %add3A_50 = arith.addf %sub3A, %add3A_49 : vector<1x128xf32>
      %sqrt3A = math.sqrt %add3A_50 : vector<1x128xf32>
      %div3A_51 = vector.broadcast %sqrt3A : vector<1x128xf32> to vector<784x128xf32>
      %div3A_52 = arith.divf %sub3A_47, %div3A_51 : vector<784x128xf32>
      %get3A_53 = arith.constant 0 : index
      %get3A_54 = arith.constant 0 : index
      %get3A_55 = vector.load %arg14[%get3A_53, %get3A_54] : memref<8x128xf32, #tpu.memory_space<vmem>>, vector<1x128xf32>
      %mul3A_56 = vector.broadcast %get3A_55 : vector<1x128xf32> to vector<784x128xf32>
      %mul3A_57 = arith.mulf %div3A_52, %mul3A_56 : vector<784x128xf32>
      %get3A_58 = arith.constant 0 : index
      %get3A_59 = arith.constant 0 : index
      %get3A_60 = vector.load %arg15[%get3A_58, %get3A_59] : memref<8x128xf32, #tpu.memory_space<vmem>>, vector<1x128xf32>
      %add3A_61 = vector.broadcast %get3A_60 : vector<1x128xf32> to vector<784x128xf32>
      %add3A_62 = arith.addf %mul3A_57, %add3A_61 : vector<784x128xf32>
      %max3A = arith.constant 0.000000e+00 : f32
      %max3A_63 = vector.broadcast %max3A : f32 to vector<784x128xf32>
      %max3A_64 = arith.maximumf %add3A_62, %max3A_63 : vector<784x128xf32>
      %get3A_65 = arith.index_cast %multiple_of3A : i32 to index
      %get3A_66 = arith.constant 0 : index
      %get3A_67 = vector.load %arg24[%get3A_65, %get3A_66] : memref<6272x128xf32, #tpu.memory_space<vmem>>, vector<784x128xf32>
      %add3A_68 = arith.addf %max3A_64, %get3A_67 : vector<784x128xf32>
      %get3A_69 = arith.constant 0 : index
      %get3A_70 = arith.constant 0 : index
      %get3A_71 = vector.load %arg10[%get3A_69, %get3A_70] : memref<128x128xf32, #tpu.memory_space<vmem>>, vector<128x128xf32>
      %dot_general3A = arith.constant dense<0.000000e+00> : vector<784x128xf32>
      %dot_general3A_72 = tpu.matmul %add3A_68, %get3A_71, %dot_general3A {dimension_numbers = #tpu.dot_dimension_numbers<[1], [0], [0], [1], [0, 0, 1, 1], [], []>, transpose_lhs_hint = false} : vector<784x128xf32>, vector<128x128xf32>, vector<784x128xf32> -> vector<784x128xf32>
      %get3A_73 = arith.constant 0 : index
      %get3A_74 = arith.constant 0 : index
      %get3A_75 = vector.load %arg5[%get3A_73, %get3A_74] : memref<196x8xf32, #tpu.memory_space<vmem>>, vector<196x8xf32>
      %get3A_76 = arith.constant 0 : index
      %get3A_77 = arith.constant 0 : index
      %get3A_78 = vector.load %arg9[%get3A_76, %get3A_77] : memref<8x128xf32, #tpu.memory_space<vmem>>, vector<8x128xf32>
      %dot_general3A_79 = arith.constant dense<0.000000e+00> : vector<196x128xf32>
      %dot_general3A_80 = tpu.matmul %get3A_75, %get3A_78, %dot_general3A_79 {dimension_numbers = #tpu.dot_dimension_numbers<[1], [0], [0], [1], [0, 0, 1, 1], [], []>, transpose_lhs_hint = false} : vector<196x8xf32>, vector<8x128xf32>, vector<196x128xf32> -> vector<196x128xf32>
      %concatenate3A = tpu.concatenate %dot_general3A_80, %dot_general3A_80, %dot_general3A_80, %dot_general3A_80 in 0 : vector<196x128xf32>, vector<196x128xf32>, vector<196x128xf32>, vector<196x128xf32> -> vector<784x128xf32>
      %add3A_81 = arith.addf %dot_general3A_72, %concatenate3A : vector<784x128xf32>
      %max3A_82 = arith.constant 0.000000e+00 : f32
      %max3A_83 = vector.broadcast %max3A_82 : f32 to vector<784x128xf32>
      %max3A_84 = arith.maximumf %add3A_81, %max3A_83 : vector<784x128xf32>
      %swap3A = arith.index_cast %multiple_of3A : i32 to index
      %swap3A_85 = arith.constant 0 : index
      %swap3A_86 = vector.load %arg26[%swap3A, %swap3A_85] : memref<6272x128xf32, #tpu.memory_space<vmem>>, vector<784x128xf32>
      tpu.vector_store %arg26[%swap3A, %swap3A_85], %max3A_84 {strides = array<i32>} : memref<6272x128xf32, #tpu.memory_space<vmem>>, vector<784x128xf32>,
      %get3A_87 = arith.constant 0 : index
      %get3A_88 = arith.constant 0 : index
      %get3A_89 = vector.load %arg11[%get3A_87, %get3A_88] : memref<128x1152xf32, #tpu.memory_space<vmem>>, vector<128x1152xf32>
      %dot_general3A_90 = arith.constant dense<0.000000e+00> : vector<784x1152xf32>
      %dot_general3A_91 = tpu.matmul %max3A_84, %get3A_89, %dot_general3A_90 {dimension_numbers = #tpu.dot_dimension_numbers<[1], [0], [0], [1], [0, 0, 1, 1], [], []>, transpose_lhs_hint = false} : vector<784x128xf32>, vector<128x1152xf32>, vector<784x1152xf32> -> vector<784x1152xf32>
      %slice3A = vector.extract_strided_slice %dot_general3A_91 {offsets = [0, 0], sizes = [784, 128], strides = [1, 1]} : vector<784x1152xf32> to vector<784x128xf32>
      %roll3A = arith.constant 15 : i32
      %roll3A_92 = tpu.dynamic_rotate %slice3A by %roll3A dim 0 : vector<784x128xf32>, i32 -> vector<784x128xf32>
      %get3A_93 = arith.constant 0 : index
      %get3A_94 = arith.constant 0 : index
      %get3A_95 = vector.load %arg18[%get3A_93, %get3A_94] : memref<784x128xf32, #tpu.memory_space<vmem>>, vector<784x128xf32>
      %mul3A_96 = arith.mulf %roll3A_92, %get3A_95 : vector<784x128xf32>
      %get3A_97 = arith.constant 0 : index
      %get3A_98 = arith.constant 0 : index
      %get3A_99 = vector.load %arg20[%get3A_97, %get3A_98] : memref<784x128xf32, #tpu.memory_space<vmem>>, vector<784x128xf32>
      %mul3A_100 = arith.mulf %mul3A_96, %get3A_99 : vector<784x128xf32>
      %slice3A_101 = vector.extract_strided_slice %dot_general3A_91 {offsets = [0, 128], sizes = [784, 128], strides = [1, 1]} : vector<784x1152xf32> to vector<784x128xf32>
      %roll3A_102 = arith.constant 14 : i32
      %roll3A_103 = tpu.dynamic_rotate %slice3A_101 by %roll3A_102 dim 0 : vector<784x128xf32>, i32 -> vector<784x128xf32>
      %get3A_104 = arith.constant 0 : index
      %get3A_105 = arith.constant 0 : index
      %get3A_106 = vector.load %arg18[%get3A_104, %get3A_105] : memref<784x128xf32, #tpu.memory_space<vmem>>, vector<784x128xf32>
      %mul3A_107 = arith.mulf %roll3A_103, %get3A_106 : vector<784x128xf32>
      %add3A_108 = arith.addf %mul3A_100, %mul3A_107 : vector<784x128xf32>
      %slice3A_109 = vector.extract_strided_slice %dot_general3A_91 {offsets = [0, 256], sizes = [784, 128], strides = [1, 1]} : vector<784x1152xf32> to vector<784x128xf32>
      %roll3A_110 = arith.constant 13 : i32
      %roll3A_111 = tpu.dynamic_rotate %slice3A_109 by %roll3A_110 dim 0 : vector<784x128xf32>, i32 -> vector<784x128xf32>
      %get3A_112 = arith.constant 0 : index
      %get3A_113 = arith.constant 0 : index
      %get3A_114 = vector.load %arg18[%get3A_112, %get3A_113] : memref<784x128xf32, #tpu.memory_space<vmem>>, vector<784x128xf32>
      %mul3A_115 = arith.mulf %roll3A_111, %get3A_114 : vector<784x128xf32>
      %get3A_116 = arith.constant 0 : index
      %get3A_117 = arith.constant 0 : index
      %get3A_118 = vector.load %arg21[%get3A_116, %get3A_117] : memref<784x128xf32, #tpu.memory_space<vmem>>, vector<784x128xf32>
      %mul3A_119 = arith.mulf %mul3A_115, %get3A_118 : vector<784x128xf32>
      %add3A_120 = arith.addf %add3A_108, %mul3A_119 : vector<784x128xf32>
      %slice3A_121 = vector.extract_strided_slice %dot_general3A_91 {offsets = [0, 384], sizes = [784, 128], strides = [1, 1]} : vector<784x1152xf32> to vector<784x128xf32>
      %roll3A_122 = arith.constant 1 : i32
      %roll3A_123 = tpu.dynamic_rotate %slice3A_121 by %roll3A_122 dim 0 : vector<784x128xf32>, i32 -> vector<784x128xf32>
      %get3A_124 = arith.constant 0 : index
      %get3A_125 = arith.constant 0 : index
      %get3A_126 = vector.load %arg20[%get3A_124, %get3A_125] : memref<784x128xf32, #tpu.memory_space<vmem>>, vector<784x128xf32>
      %mul3A_127 = arith.mulf %roll3A_123, %get3A_126 : vector<784x128xf32>
      %add3A_128 = arith.addf %add3A_120, %mul3A_127 : vector<784x128xf32>
      %slice3A_129 = vector.extract_strided_slice %dot_general3A_91 {offsets = [0, 512], sizes = [784, 128], strides = [1, 1]} : vector<784x1152xf32> to vector<784x128xf32>
      %roll3A_130 = arith.constant 0 : i32
      %roll3A_131 = tpu.dynamic_rotate %slice3A_129 by %roll3A_130 dim 0 : vector<784x128xf32>, i32 -> vector<784x128xf32>
      %add3A_132 = arith.addf %add3A_128, %roll3A_131 : vector<784x128xf32>
      %slice3A_133 = vector.extract_strided_slice %dot_general3A_91 {offsets = [0, 640], sizes = [784, 128], strides = [1, 1]} : vector<784x1152xf32> to vector<784x128xf32>
      %roll3A_134 = arith.constant 783 : i32
      %roll3A_135 = tpu.dynamic_rotate %slice3A_133 by %roll3A_134 dim 0 : vector<784x128xf32>, i32 -> vector<784x128xf32>
      %get3A_136 = arith.constant 0 : index
      %get3A_137 = arith.constant 0 : index
      %get3A_138 = vector.load %arg21[%get3A_136, %get3A_137] : memref<784x128xf32, #tpu.memory_space<vmem>>, vector<784x128xf32>
      %mul3A_139 = arith.mulf %roll3A_135, %get3A_138 : vector<784x128xf32>
      %add3A_140 = arith.addf %add3A_132, %mul3A_139 : vector<784x128xf32>
      %slice3A_141 = vector.extract_strided_slice %dot_general3A_91 {offsets = [0, 768], sizes = [784, 128], strides = [1, 1]} : vector<784x1152xf32> to vector<784x128xf32>
      %roll3A_142 = arith.constant 771 : i32
      %roll3A_143 = tpu.dynamic_rotate %slice3A_141 by %roll3A_142 dim 0 : vector<784x128xf32>, i32 -> vector<784x128xf32>
      %get3A_144 = arith.constant 0 : index
      %get3A_145 = arith.constant 0 : index
      %get3A_146 = vector.load %arg19[%get3A_144, %get3A_145] : memref<784x128xf32, #tpu.memory_space<vmem>>, vector<784x128xf32>
      %mul3A_147 = arith.mulf %roll3A_143, %get3A_146 : vector<784x128xf32>
      %get3A_148 = arith.constant 0 : index
      %get3A_149 = arith.constant 0 : index
      %get3A_150 = vector.load %arg20[%get3A_148, %get3A_149] : memref<784x128xf32, #tpu.memory_space<vmem>>, vector<784x128xf32>
      %mul3A_151 = arith.mulf %mul3A_147, %get3A_150 : vector<784x128xf32>
      %add3A_152 = arith.addf %add3A_140, %mul3A_151 : vector<784x128xf32>
      %slice3A_153 = vector.extract_strided_slice %dot_general3A_91 {offsets = [0, 896], sizes = [784, 128], strides = [1, 1]} : vector<784x1152xf32> to vector<784x128xf32>
      %roll3A_154 = arith.constant 770 : i32
      %roll3A_155 = tpu.dynamic_rotate %slice3A_153 by %roll3A_154 dim 0 : vector<784x128xf32>, i32 -> vector<784x128xf32>
      %get3A_156 = arith.constant 0 : index
      %get3A_157 = arith.constant 0 : index
      %get3A_158 = vector.load %arg19[%get3A_156, %get3A_157] : memref<784x128xf32, #tpu.memory_space<vmem>>, vector<784x128xf32>
      %mul3A_159 = arith.mulf %roll3A_155, %get3A_158 : vector<784x128xf32>
      %add3A_160 = arith.addf %add3A_152, %mul3A_159 : vector<784x128xf32>
      %slice3A_161 = vector.extract_strided_slice %dot_general3A_91 {offsets = [0, 1024], sizes = [784, 128], strides = [1, 1]} : vector<784x1152xf32> to vector<784x128xf32>
      %roll3A_162 = arith.constant 769 : i32
      %roll3A_163 = tpu.dynamic_rotate %slice3A_161 by %roll3A_162 dim 0 : vector<784x128xf32>, i32 -> vector<784x128xf32>
      %get3A_164 = arith.constant 0 : index
      %get3A_165 = arith.constant 0 : index
      %get3A_166 = vector.load %arg19[%get3A_164, %get3A_165] : memref<784x128xf32, #tpu.memory_space<vmem>>, vector<784x128xf32>
      %mul3A_167 = arith.mulf %roll3A_163, %get3A_166 : vector<784x128xf32>
      %get3A_168 = arith.constant 0 : index
      %get3A_169 = arith.constant 0 : index
      %get3A_170 = vector.load %arg21[%get3A_168, %get3A_169] : memref<784x128xf32, #tpu.memory_space<vmem>>, vector<784x128xf32>
      %mul3A_171 = arith.mulf %mul3A_167, %get3A_170 : vector<784x128xf32>
      %add3A_172 = arith.addf %add3A_160, %mul3A_171 : vector<784x128xf32>
      %swap3A_173 = arith.index_cast %multiple_of3A : i32 to index
      %swap3A_174 = arith.constant 0 : index
      %swap3A_175 = vector.load %arg23[%swap3A_173, %swap3A_174] : memref<6272x128xf32, #tpu.memory_space<vmem>>, vector<784x128xf32>
      tpu.vector_store %arg23[%swap3A_173, %swap3A_174], %add3A_172 {strides = array<i32>} : memref<6272x128xf32, #tpu.memory_space<vmem>>, vector<784x128xf32>,
      %sub3A_176 = arith.constant 16 : i32
      %sub3A_177 = arith.subi %arg0, %sub3A_176 : i32
      %reduce_sum3A = arith.constant dense<0.000000e+00> : vector<128xf32>
      %reduce_sum3A_178 = vector.multi_reduction <add>, %add3A_172, %reduce_sum3A [0] : vector<784x128xf32> to vector<128xf32>
      %broadcast_in_dim3A = vector.shape_cast %reduce_sum3A_178 : vector<128xf32> to vector<1x128xf32>
      %broadcast_in_dim3A_179 = vector.shape_cast %broadcast_in_dim3A : vector<1x128xf32> to vector<1x128xf32>
      %broadcast_in_dim3A_180 = vector.broadcast %broadcast_in_dim3A_179 : vector<1x128xf32> to vector<8x128xf32>
      %mul3A_181 = arith.mulf %add3A_172, %add3A_172 : vector<784x128xf32>
      %reduce_sum3A_182 = arith.constant dense<0.000000e+00> : vector<128xf32>
      %reduce_sum3A_183 = vector.multi_reduction <add>, %mul3A_181, %reduce_sum3A_182 [0] : vector<784x128xf32> to vector<128xf32>
      %broadcast_in_dim3A_184 = vector.shape_cast %reduce_sum3A_183 : vector<128xf32> to vector<1x128xf32>
      %broadcast_in_dim3A_185 = vector.shape_cast %broadcast_in_dim3A_184 : vector<1x128xf32> to vector<1x128xf32>
      %broadcast_in_dim3A_186 = vector.broadcast %broadcast_in_dim3A_185 : vector<1x128xf32> to vector<8x128xf32>
      %eq3A_187 = arith.constant 0 : i32
      %eq3A_188 = arith.cmpi eq, %sub3A_177, %eq3A_187 : i32
      %convert_element_type3A_189 = arith.extui %eq3A_188 : i1 to i32
      %cond3A_190 = arith.constant 0 : i32
      %cond3A_191 = arith.cmpi ne, %convert_element_type3A_189, %cond3A_190 : i32
      scf.if %cond3A_191 {
        %swap3A_197 = arith.constant 0 : index
        %swap3A_198 = arith.constant 0 : index
        %swap3A_199 = vector.load %arg31[%swap3A_197, %swap3A_198] : memref<8x128xf32, #tpu.memory_space<vmem>>, vector<8x128xf32>
        tpu.vector_store %arg31[%swap3A_197, %swap3A_198], %broadcast_in_dim3A_180 {strides = array<i32>} : memref<8x128xf32, #tpu.memory_space<vmem>>, vector<8x128xf32>,
        %swap3A_200 = arith.constant 0 : index
        %swap3A_201 = arith.constant 0 : index
        %swap3A_202 = vector.load %arg32[%swap3A_200, %swap3A_201] : memref<8x128xf32, #tpu.memory_space<vmem>>, vector<8x128xf32>
        tpu.vector_store %arg32[%swap3A_200, %swap3A_201], %broadcast_in_dim3A_186 {strides = array<i32>} : memref<8x128xf32, #tpu.memory_space<vmem>>, vector<8x128xf32>,
      } else {
      }
      %ne3A_192 = arith.constant 0 : i32
      %ne3A_193 = arith.cmpi ne, %sub3A_177, %ne3A_192 : i32
      %convert_element_type3A_194 = arith.extui %ne3A_193 : i1 to i32
      %cond3A_195 = arith.constant 0 : i32
      %cond3A_196 = arith.cmpi ne, %convert_element_type3A_194, %cond3A_195 : i32
      scf.if %cond3A_196 {
        %get3A_197 = arith.constant 0 : index
        %get3A_198 = arith.constant 0 : index
        %get3A_199 = vector.load %arg31[%get3A_197, %get3A_198] : memref<8x128xf32, #tpu.memory_space<vmem>>, vector<8x128xf32>
        %add3A_200 = arith.addf %get3A_199, %broadcast_in_dim3A_180 : vector<8x128xf32>
        %swap3A_201 = arith.constant 0 : index
        %swap3A_202 = arith.constant 0 : index
        %swap3A_203 = vector.load %arg31[%swap3A_201, %swap3A_202] : memref<8x128xf32, #tpu.memory_space<vmem>>, vector<8x128xf32>
        tpu.vector_store %arg31[%swap3A_201, %swap3A_202], %add3A_200 {strides = array<i32>} : memref<8x128xf32, #tpu.memory_space<vmem>>, vector<8x128xf32>,
        %get3A_204 = arith.constant 0 : index
        %get3A_205 = arith.constant 0 : index
        %get3A_206 = vector.load %arg32[%get3A_204, %get3A_205] : memref<8x128xf32, #tpu.memory_space<vmem>>, vector<8x128xf32>
        %add3A_207 = arith.addf %get3A_206, %broadcast_in_dim3A_186 : vector<8x128xf32>
        %swap3A_208 = arith.constant 0 : index
        %swap3A_209 = arith.constant 0 : index
        %swap3A_210 = vector.load %arg32[%swap3A_208, %swap3A_209] : memref<8x128xf32, #tpu.memory_space<vmem>>, vector<8x128xf32>
        tpu.vector_store %arg32[%swap3A_208, %swap3A_209], %add3A_207 {strides = array<i32>} : memref<8x128xf32, #tpu.memory_space<vmem>>, vector<8x128xf32>,
      } else {
      }
    } else {
    }
    %ge3A_27 = arith.constant 24 : i32
    %ge3A_28 = arith.cmpi sge, %arg0, %ge3A_27 : i32
    %convert_element_type3A_29 = arith.extui %ge3A_28 : i1 to i32
    %cond3A_30 = arith.constant 0 : i32
    %cond3A_31 = arith.cmpi ne, %convert_element_type3A_29, %cond3A_30 : i32
    scf.if %cond3A_31 {
      %get3A = arith.index_cast %multiple_of3A : i32 to index
      %get3A_32 = arith.constant 0 : index
      %get3A_33 = vector.load %arg23[%get3A, %get3A_32] : memref<6272x128xf32, #tpu.memory_space<vmem>>, vector<784x128xf32>
      %get3A_34 = arith.constant 0 : index
      %get3A_35 = arith.constant 0 : index
      %get3A_36 = vector.load %arg31[%get3A_34, %get3A_35] : memref<8x128xf32, #tpu.memory_space<vmem>>, vector<1x128xf32>
      %div3A = arith.constant 6.272000e+03 : f32
      %div3A_37 = vector.broadcast %div3A : f32 to vector<1x128xf32>
      %div3A_38 = arith.divf %get3A_36, %div3A_37 : vector<1x128xf32>
      %get3A_39 = arith.constant 0 : index
      %get3A_40 = arith.constant 0 : index
      %get3A_41 = vector.load %arg32[%get3A_39, %get3A_40] : memref<8x128xf32, #tpu.memory_space<vmem>>, vector<1x128xf32>
      %div3A_42 = arith.constant 6.272000e+03 : f32
      %div3A_43 = vector.broadcast %div3A_42 : f32 to vector<1x128xf32>
      %div3A_44 = arith.divf %get3A_41, %div3A_43 : vector<1x128xf32>
      %mul3A_45 = arith.mulf %div3A_38, %div3A_38 : vector<1x128xf32>
      %sub3A = arith.subf %div3A_44, %mul3A_45 : vector<1x128xf32>
      %sub3A_46 = vector.broadcast %div3A_38 : vector<1x128xf32> to vector<784x128xf32>
      %sub3A_47 = arith.subf %get3A_33, %sub3A_46 : vector<784x128xf32>
      %add3A_48 = arith.constant 9.99999974E-6 : f32
      %add3A_49 = vector.broadcast %add3A_48 : f32 to vector<1x128xf32>
      %add3A_50 = arith.addf %sub3A, %add3A_49 : vector<1x128xf32>
      %sqrt3A = math.sqrt %add3A_50 : vector<1x128xf32>
      %div3A_51 = vector.broadcast %sqrt3A : vector<1x128xf32> to vector<784x128xf32>
      %div3A_52 = arith.divf %sub3A_47, %div3A_51 : vector<784x128xf32>
      %get3A_53 = arith.constant 0 : index
      %get3A_54 = arith.constant 0 : index
      %get3A_55 = vector.load %arg16[%get3A_53, %get3A_54] : memref<8x128xf32, #tpu.memory_space<vmem>>, vector<1x128xf32>
      %mul3A_56 = vector.broadcast %get3A_55 : vector<1x128xf32> to vector<784x128xf32>
      %mul3A_57 = arith.mulf %div3A_52, %mul3A_56 : vector<784x128xf32>
      %get3A_58 = arith.constant 0 : index
      %get3A_59 = arith.constant 0 : index
      %get3A_60 = vector.load %arg17[%get3A_58, %get3A_59] : memref<8x128xf32, #tpu.memory_space<vmem>>, vector<1x128xf32>
      %add3A_61 = vector.broadcast %get3A_60 : vector<1x128xf32> to vector<784x128xf32>
      %add3A_62 = arith.addf %mul3A_57, %add3A_61 : vector<784x128xf32>
      %max3A = arith.constant 0.000000e+00 : f32
      %max3A_63 = vector.broadcast %max3A : f32 to vector<784x128xf32>
      %max3A_64 = arith.maximumf %add3A_62, %max3A_63 : vector<784x128xf32>
      %get3A_65 = arith.index_cast %multiple_of3A : i32 to index
      %get3A_66 = arith.constant 0 : index
      %get3A_67 = vector.load %arg26[%get3A_65, %get3A_66] : memref<6272x128xf32, #tpu.memory_space<vmem>>, vector<784x128xf32>
      %add3A_68 = arith.addf %max3A_64, %get3A_67 : vector<784x128xf32>
      %swap3A = arith.constant 0 : index
      %swap3A_69 = arith.constant 0 : index
      %swap3A_70 = vector.load %arg22[%swap3A, %swap3A_69] : memref<784x128xf32, #tpu.memory_space<vmem>>, vector<784x128xf32>
      tpu.vector_store %arg22[%swap3A, %swap3A_69], %add3A_68 {strides = array<i32>} : memref<784x128xf32, #tpu.memory_space<vmem>>, vector<784x128xf32>,
    } else {
    }
    return
  }
  func.func @transform_0(%arg0: i32) -> (i32, i32, i32) {
    %lt3A = arith.constant 8 : i32
    %lt3A_0 = arith.cmpi slt, %arg0, %lt3A : i32
    %jit3A = arith.constant 0 : i32
    %select_n3A = arith.select %lt3A_0, %arg0, %jit3A : i32
    %c0_i32 = arith.constant 0 : i32
    %c0_i32_1 = arith.constant 0 : i32
    %c0_i32_2 = arith.constant 0 : i32
    return %select_n3A, %c0_i32, %c0_i32_1 : i32, i32, i32
  }
  func.func @transform_1(%arg0: i32) -> (i32, i32) {
    %c0_i32 = arith.constant 0 : i32
    %c0_i32_0 = arith.constant 0 : i32
    %c0_i32_1 = arith.constant 0 : i32
    return %c0_i32, %c0_i32_0 : i32, i32
  }
  func.func @transform_2(%arg0: i32) -> (i32, i32) {
    %c0_i32 = arith.constant 0 : i32
    %c0_i32_0 = arith.constant 0 : i32
    %c0_i32_1 = arith.constant 0 : i32
    return %c0_i32, %c0_i32_0 : i32, i32
  }
  func.func @transform_3(%arg0: i32) -> (i32, i32) {
    %c0_i32 = arith.constant 0 : i32
    %c0_i32_0 = arith.constant 0 : i32
    %c0_i32_1 = arith.constant 0 : i32
    return %c0_i32, %c0_i32_0 : i32, i32
  }
  func.func @transform_4(%arg0: i32) -> (i32, i32) {
    %c0_i32 = arith.constant 0 : i32
    %c0_i32_0 = arith.constant 0 : i32
    %c0_i32_1 = arith.constant 0 : i32
    return %c0_i32, %c0_i32_0 : i32, i32
  }
  func.func @transform_5(%arg0: i32) -> (i32, i32) {
    %c0_i32 = arith.constant 0 : i32
    %c0_i32_0 = arith.constant 0 : i32
    %c0_i32_1 = arith.constant 0 : i32
    return %c0_i32, %c0_i32_0 : i32, i32
  }
  func.func @transform_6(%arg0: i32) -> (i32, i32) {
    %c0_i32 = arith.constant 0 : i32
    %c0_i32_0 = arith.constant 0 : i32
    %c0_i32_1 = arith.constant 0 : i32
    return %c0_i32, %c0_i32_0 : i32, i32
  }
  func.func @transform_7(%arg0: i32) -> (i32, i32) {
    %c0_i32 = arith.constant 0 : i32
    %c0_i32_0 = arith.constant 0 : i32
    %c0_i32_1 = arith.constant 0 : i32
    return %c0_i32, %c0_i32_0 : i32, i32
  }
  func.func @transform_8(%arg0: i32) -> (i32, i32) {
    %c0_i32 = arith.constant 0 : i32
    %c0_i32_0 = arith.constant 0 : i32
    %c0_i32_1 = arith.constant 0 : i32
    return %c0_i32, %c0_i32_0 : i32, i32
  }
  func.func @transform_9(%arg0: i32) -> (i32, i32) {
    %c0_i32 = arith.constant 0 : i32
    %c0_i32_0 = arith.constant 0 : i32
    %c0_i32_1 = arith.constant 0 : i32
    return %c0_i32, %c0_i32_0 : i32, i32
  }
  func.func @transform_10(%arg0: i32) -> (i32, i32) {
    %c0_i32 = arith.constant 0 : i32
    %c0_i32_0 = arith.constant 0 : i32
    %c0_i32_1 = arith.constant 0 : i32
    return %c0_i32, %c0_i32_0 : i32, i32
  }
  func.func @transform_11(%arg0: i32) -> (i32, i32) {
    %c0_i32 = arith.constant 0 : i32
    %c0_i32_0 = arith.constant 0 : i32
    %c0_i32_1 = arith.constant 0 : i32
    return %c0_i32, %c0_i32_0 : i32, i32
  }
  func.func @transform_12(%arg0: i32) -> (i32, i32) {
    %c0_i32 = arith.constant 0 : i32
    %c0_i32_0 = arith.constant 0 : i32
    %c0_i32_1 = arith.constant 0 : i32
    return %c0_i32, %c0_i32_0 : i32, i32
  }
  func.func @transform_13(%arg0: i32) -> (i32, i32) {
    %c0_i32 = arith.constant 0 : i32
    %c0_i32_0 = arith.constant 0 : i32
    %c0_i32_1 = arith.constant 0 : i32
    return %c0_i32, %c0_i32_0 : i32, i32
  }
  func.func @transform_14(%arg0: i32) -> (i32, i32) {
    %c0_i32 = arith.constant 0 : i32
    %c0_i32_0 = arith.constant 0 : i32
    %c0_i32_1 = arith.constant 0 : i32
    return %c0_i32, %c0_i32_0 : i32, i32
  }
  func.func @transform_15(%arg0: i32) -> (i32, i32) {
    %c0_i32 = arith.constant 0 : i32
    %c0_i32_0 = arith.constant 0 : i32
    %c0_i32_1 = arith.constant 0 : i32
    return %c0_i32, %c0_i32_0 : i32, i32
  }
  func.func @transform_16(%arg0: i32) -> (i32, i32) {
    %c0_i32 = arith.constant 0 : i32
    %c0_i32_0 = arith.constant 0 : i32
    %c0_i32_1 = arith.constant 0 : i32
    return %c0_i32, %c0_i32_0 : i32, i32
  }
  func.func @transform_17(%arg0: i32) -> (i32, i32) {
    %c0_i32 = arith.constant 0 : i32
    %c0_i32_0 = arith.constant 0 : i32
    %c0_i32_1 = arith.constant 0 : i32
    return %c0_i32, %c0_i32_0 : i32, i32
  }
  func.func @transform_18(%arg0: i32) -> (i32, i32) {
    %c0_i32 = arith.constant 0 : i32
    %c0_i32_0 = arith.constant 0 : i32
    %c0_i32_1 = arith.constant 0 : i32
    return %c0_i32, %c0_i32_0 : i32, i32
  }
  func.func @transform_19(%arg0: i32) -> (i32, i32) {
    %c0_i32 = arith.constant 0 : i32
    %c0_i32_0 = arith.constant 0 : i32
    %c0_i32_1 = arith.constant 0 : i32
    return %c0_i32, %c0_i32_0 : i32, i32
  }
  func.func @transform_20(%arg0: i32) -> (i32, i32) {
    %c0_i32 = arith.constant 0 : i32
    %c0_i32_0 = arith.constant 0 : i32
    %c0_i32_1 = arith.constant 0 : i32
    return %c0_i32, %c0_i32_0 : i32, i32
  }
  func.func @transform_21(%arg0: i32) -> (i32, i32) {
    %ge3A = arith.constant 24 : i32
    %ge3A_0 = arith.cmpi sge, %arg0, %ge3A : i32
    %jit3A = arith.constant 8 : i32
    %eq3A = arith.constant 0 : i32
    %eq3A_1 = arith.cmpi eq, %jit3A, %eq3A : i32
    %jit3A_2 = arith.constant 1 : i32
    %select_n3A = arith.select %eq3A_1, %jit3A_2, %jit3A : i32
    %rem3A = arith.remsi %arg0, %select_n3A : i32
    %ne3A = arith.constant 0 : i32
    %ne3A_3 = arith.cmpi ne, %rem3A, %ne3A : i32
    %lt3A = arith.constant 0 : i32
    %lt3A_4 = arith.cmpi slt, %rem3A, %lt3A : i32
    %lt3A_5 = arith.constant 0 : i32
    %lt3A_6 = arith.cmpi slt, %select_n3A, %lt3A_5 : i32
    %ne3A_7 = arith.xori %lt3A_4, %lt3A_6 : i1
    %and3A = arith.andi %ne3A_7, %ne3A_3 : i1
    %add3A = arith.addi %rem3A, %select_n3A : i32
    %select_n3A_8 = arith.select %and3A, %add3A, %rem3A : i32
    %jit3A_9 = arith.constant 0 : i32
    %select_n3A_10 = arith.select %ge3A_0, %select_n3A_8, %jit3A_9 : i32
    %c0_i32 = arith.constant 0 : i32
    %c0_i32_11 = arith.constant 0 : i32
    return %select_n3A_10, %c0_i32 : i32, i32
  }
}

module attributes {stable_mosaic.version = 14 : i64} {
  func.func @_lstm_body(%arg0: i32, %arg1: memref<1536x384xf32, #tpu.memory_space<vmem>>, %arg2: memref<4096x300xbf16, #tpu.memory_space<vmem>>, %arg3: memref<8x4096xf32, #tpu.memory_space<vmem>>, %arg4: memref<4096x1024xbf16, #tpu.memory_space<vmem>>, %arg5: memref<4096x300xbf16, #tpu.memory_space<vmem>>, %arg6: memref<8x4096xf32, #tpu.memory_space<vmem>>, %arg7: memref<32x2048xf32, #tpu.memory_space<vmem>>, %arg8: memref<1536x4096xf32, #tpu.memory_space<vmem>>) attributes {dimension_semantics = [#tpu.dimension_semantics<arbitrary>], iteration_bounds = array<i64: 7>, scalar_prefetch = 0 : i64, scratch_operands = 1 : i64, tpu.core_type = #tpu.core_type<tc>, window_params = [{pipeline_mode = #tpu.pipeline_mode<synchronous>, transform_indices = @transform_0, window_bounds = array<i64: 1536, 384>}, {pipeline_mode = #tpu.pipeline_mode<synchronous>, transform_indices = @transform_1, window_bounds = array<i64: 4096, 300>}, {pipeline_mode = #tpu.pipeline_mode<synchronous>, transform_indices = @transform_2, window_bounds = array<i64: 8, 4096>}, {pipeline_mode = #tpu.pipeline_mode<synchronous>, transform_indices = @transform_3, window_bounds = array<i64: 4096, 1024>}, {pipeline_mode = #tpu.pipeline_mode<synchronous>, transform_indices = @transform_4, window_bounds = array<i64: 4096, 300>}, {pipeline_mode = #tpu.pipeline_mode<synchronous>, transform_indices = @transform_5, window_bounds = array<i64: 8, 4096>}, {pipeline_mode = #tpu.pipeline_mode<synchronous>, transform_indices = @transform_6, window_bounds = array<i64: 32, 2048>}]} {
    %lt3A = arith.constant 6 : i32
    %lt3A_0 = arith.cmpi slt, %arg0, %lt3A : i32
    %convert_element_type3A = arith.extui %lt3A_0 : i1 to i32
    %cond3A = arith.constant 0 : i32
    %cond3A_1 = arith.cmpi ne, %convert_element_type3A, %cond3A : i32
    scf.if %cond3A_1 {
      %mul3A = arith.constant 256 : i32
      %mul3A_6 = arith.muli %arg0, %mul3A : i32
      %multiple_of3A = tpu.assume_multiple %mul3A_6, 256 : i32
      %get3A = arith.index_cast %multiple_of3A : i32 to index
      %get3A_7 = arith.constant 0 : index
      %get3A_8 = vector.load %arg1[%get3A, %get3A_7] : memref<1536x384xf32, #tpu.memory_space<vmem>>, vector<256x384xf32>
      %slice3A = vector.extract_strided_slice %get3A_8 {offsets = [0, 0], sizes = [256, 300], strides = [1, 1]} : vector<256x384xf32> to vector<256x300xf32>
      %convert_element_type3A_9 = arith.truncf %slice3A : vector<256x300xf32> to vector<256x300xbf16>
      %get3A_10 = arith.constant 0 : index
      %get3A_11 = arith.constant 0 : index
      %get3A_12 = vector.load %arg2[%get3A_10, %get3A_11] : memref<4096x300xbf16, #tpu.memory_space<vmem>>, vector<4096x300xbf16>
      %dot_general3A = arith.constant dense<0.000000e+00> : vector<256x4096xf32>
      %dot_general3A_13 = tpu.matmul %convert_element_type3A_9, %get3A_12, %dot_general3A {dimension_numbers = #tpu.dot_dimension_numbers<[1], [1], [0], [0], [0, 0, 1, 0], [], []>, transpose_lhs_hint = false} : vector<256x300xbf16>, vector<4096x300xbf16>, vector<256x4096xf32> -> vector<256x4096xf32>
      %get3A_14 = arith.constant 0 : index
      %get3A_15 = arith.constant 0 : index
      %get3A_16 = vector.load %arg3[%get3A_14, %get3A_15] : memref<8x4096xf32, #tpu.memory_space<vmem>>, vector<1x4096xf32>
      %add3A = vector.broadcast %get3A_16 : vector<1x4096xf32> to vector<256x4096xf32>
      %add3A_17 = arith.addf %dot_general3A_13, %add3A : vector<256x4096xf32>
      %swap3A = arith.index_cast %multiple_of3A : i32 to index
      %swap3A_18 = arith.constant 0 : index
      %swap3A_19 = vector.load %arg8[%swap3A, %swap3A_18] : memref<1536x4096xf32, #tpu.memory_space<vmem>>, vector<256x4096xf32>
      tpu.vector_store %arg8[%swap3A, %swap3A_18], %add3A_17 {strides = array<i32>} : memref<1536x4096xf32, #tpu.memory_space<vmem>>, vector<256x4096xf32>,
    } else {
    }
    %eq3A = arith.constant 6 : i32
    %eq3A_2 = arith.cmpi eq, %arg0, %eq3A : i32
    %convert_element_type3A_3 = arith.extui %eq3A_2 : i1 to i32
    %cond3A_4 = arith.constant 0 : i32
    %cond3A_5 = arith.cmpi ne, %convert_element_type3A_3, %cond3A_4 : i32
    scf.if %cond3A_5 {
      %broadcast_in_dim3A = arith.constant 0.000000e+00 : f32
      %broadcast_in_dim3A_6 = vector.broadcast %broadcast_in_dim3A : f32 to vector<32x1024xf32>
      %scan3A = arith.constant 0 : i32
      %scan3A_7 = arith.constant 45 : i32
      %scan3A_8 = arith.addi %scan3A, %scan3A_7 : i32
      %scan3A_9 = arith.constant 1 : i32
      %scan3A_10:2 = scf.for %scan3A_47 = %scan3A to %scan3A_8 step %scan3A_9 iter_args(%scan3A_48 = %broadcast_in_dim3A_6, %scan3A_49 = %broadcast_in_dim3A_6) -> (vector<32x1024xf32>, vector<32x1024xf32>)  : i32 {
        %mul3A_50 = arith.constant 32 : i32
        %mul3A_51 = arith.muli %scan3A_47, %mul3A_50 : i32
        %multiple_of3A = tpu.assume_multiple %mul3A_51, 32 : i32
        %get3A_52 = arith.index_cast %multiple_of3A : i32 to index
        %get3A_53 = arith.constant 0 : index
        %get3A_54 = vector.load %arg8[%get3A_52, %get3A_53] : memref<1536x4096xf32, #tpu.memory_space<vmem>>, vector<32x4096xf32>
        %convert_element_type3A_55 = arith.truncf %scan3A_48 : vector<32x1024xf32> to vector<32x1024xbf16>
        %get3A_56 = arith.constant 0 : index
        %get3A_57 = arith.constant 0 : index
        %get3A_58 = vector.load %arg4[%get3A_56, %get3A_57] : memref<4096x1024xbf16, #tpu.memory_space<vmem>>, vector<4096x1024xbf16>
        %dot_general3A_59 = arith.constant dense<0.000000e+00> : vector<32x4096xf32>
        %dot_general3A_60 = tpu.matmul %convert_element_type3A_55, %get3A_58, %dot_general3A_59 {dimension_numbers = #tpu.dot_dimension_numbers<[1], [1], [0], [0], [0, 0, 1, 0], [], []>, transpose_lhs_hint = false} : vector<32x1024xbf16>, vector<4096x1024xbf16>, vector<32x4096xf32> -> vector<32x4096xf32>
        %add3A_61 = arith.addf %get3A_54, %dot_general3A_60 : vector<32x4096xf32>
        %slice3A_62 = vector.extract_strided_slice %add3A_61 {offsets = [0, 0], sizes = [32, 1024], strides = [1, 1]} : vector<32x4096xf32> to vector<32x1024xf32>
        %logistic3A_63 = arith.negf %slice3A_62 : vector<32x1024xf32>
        %logistic3A_64 = math.exp %logistic3A_63 : vector<32x1024xf32>
        %logistic3A_65 = arith.constant 1.000000e+00 : f32
        %logistic3A_66 = vector.broadcast %logistic3A_65 : f32 to vector<32x1024xf32>
        %logistic3A_67 = arith.addf %logistic3A_66, %logistic3A_64 : vector<32x1024xf32>
        %logistic3A_68 = arith.divf %logistic3A_66, %logistic3A_67 : vector<32x1024xf32>
        %slice3A_69 = vector.extract_strided_slice %add3A_61 {offsets = [0, 1024], sizes = [32, 1024], strides = [1, 1]} : vector<32x4096xf32> to vector<32x1024xf32>
        %logistic3A_70 = arith.negf %slice3A_69 : vector<32x1024xf32>
        %logistic3A_71 = math.exp %logistic3A_70 : vector<32x1024xf32>
        %logistic3A_72 = arith.constant 1.000000e+00 : f32
        %logistic3A_73 = vector.broadcast %logistic3A_72 : f32 to vector<32x1024xf32>
        %logistic3A_74 = arith.addf %logistic3A_73, %logistic3A_71 : vector<32x1024xf32>
        %logistic3A_75 = arith.divf %logistic3A_73, %logistic3A_74 : vector<32x1024xf32>
        %slice3A_76 = vector.extract_strided_slice %add3A_61 {offsets = [0, 2048], sizes = [32, 1024], strides = [1, 1]} : vector<32x4096xf32> to vector<32x1024xf32>
        %tanh3A_77 = math.tanh %slice3A_76 : vector<32x1024xf32>
        %slice3A_78 = vector.extract_strided_slice %add3A_61 {offsets = [0, 3072], sizes = [32, 1024], strides = [1, 1]} : vector<32x4096xf32> to vector<32x1024xf32>
        %logistic3A_79 = arith.negf %slice3A_78 : vector<32x1024xf32>
        %logistic3A_80 = math.exp %logistic3A_79 : vector<32x1024xf32>
        %logistic3A_81 = arith.constant 1.000000e+00 : f32
        %logistic3A_82 = vector.broadcast %logistic3A_81 : f32 to vector<32x1024xf32>
        %logistic3A_83 = arith.addf %logistic3A_82, %logistic3A_80 : vector<32x1024xf32>
        %logistic3A_84 = arith.divf %logistic3A_82, %logistic3A_83 : vector<32x1024xf32>
        %mul3A_85 = arith.mulf %logistic3A_75, %scan3A_49 : vector<32x1024xf32>
        %mul3A_86 = arith.mulf %logistic3A_68, %tanh3A_77 : vector<32x1024xf32>
        %add3A_87 = arith.addf %mul3A_85, %mul3A_86 : vector<32x1024xf32>
        %tanh3A_88 = math.tanh %add3A_87 : vector<32x1024xf32>
        %mul3A_89 = arith.mulf %logistic3A_84, %tanh3A_88 : vector<32x1024xf32>
        scf.yield %mul3A_89, %add3A_87 : vector<32x1024xf32>, vector<32x1024xf32>
      }
      %scan3A_11 = arith.constant 45 : i32
      %get3A = arith.constant 1408 : index
      %get3A_12 = arith.constant 0 : index
      %get3A_13 = vector.load %arg1[%get3A, %get3A_12] : memref<1536x384xf32, #tpu.memory_space<vmem>>, vector<32x384xf32>
      %slice3A = vector.extract_strided_slice %get3A_13 {offsets = [0, 0], sizes = [32, 300], strides = [1, 1]} : vector<32x384xf32> to vector<32x300xf32>
      %convert_element_type3A_14 = arith.truncf %slice3A : vector<32x300xf32> to vector<32x300xbf16>
      %get3A_15 = arith.constant 0 : index
      %get3A_16 = arith.constant 0 : index
      %get3A_17 = vector.load %arg5[%get3A_15, %get3A_16] : memref<4096x300xbf16, #tpu.memory_space<vmem>>, vector<4096x300xbf16>
      %dot_general3A = arith.constant dense<0.000000e+00> : vector<32x4096xf32>
      %dot_general3A_18 = tpu.matmul %convert_element_type3A_14, %get3A_17, %dot_general3A {dimension_numbers = #tpu.dot_dimension_numbers<[1], [1], [0], [0], [0, 0, 1, 0], [], []>, transpose_lhs_hint = false} : vector<32x300xbf16>, vector<4096x300xbf16>, vector<32x4096xf32> -> vector<32x4096xf32>
      %get3A_19 = arith.constant 0 : index
      %get3A_20 = arith.constant 0 : index
      %get3A_21 = vector.load %arg6[%get3A_19, %get3A_20] : memref<8x4096xf32, #tpu.memory_space<vmem>>, vector<1x4096xf32>
      %add3A = vector.broadcast %get3A_21 : vector<1x4096xf32> to vector<32x4096xf32>
      %add3A_22 = arith.addf %dot_general3A_18, %add3A : vector<32x4096xf32>
      %slice3A_23 = vector.extract_strided_slice %add3A_22 {offsets = [0, 0], sizes = [32, 1024], strides = [1, 1]} : vector<32x4096xf32> to vector<32x1024xf32>
      %logistic3A = arith.negf %slice3A_23 : vector<32x1024xf32>
      %logistic3A_24 = math.exp %logistic3A : vector<32x1024xf32>
      %logistic3A_25 = arith.constant 1.000000e+00 : f32
      %logistic3A_26 = vector.broadcast %logistic3A_25 : f32 to vector<32x1024xf32>
      %logistic3A_27 = arith.addf %logistic3A_26, %logistic3A_24 : vector<32x1024xf32>
      %logistic3A_28 = arith.divf %logistic3A_26, %logistic3A_27 : vector<32x1024xf32>
      %slice3A_29 = vector.extract_strided_slice %add3A_22 {offsets = [0, 2048], sizes = [32, 1024], strides = [1, 1]} : vector<32x4096xf32> to vector<32x1024xf32>
      %tanh3A = math.tanh %slice3A_29 : vector<32x1024xf32>
      %mul3A = arith.mulf %logistic3A_28, %tanh3A : vector<32x1024xf32>
      %slice3A_30 = vector.extract_strided_slice %add3A_22 {offsets = [0, 3072], sizes = [32, 1024], strides = [1, 1]} : vector<32x4096xf32> to vector<32x1024xf32>
      %logistic3A_31 = arith.negf %slice3A_30 : vector<32x1024xf32>
      %logistic3A_32 = math.exp %logistic3A_31 : vector<32x1024xf32>
      %logistic3A_33 = arith.constant 1.000000e+00 : f32
      %logistic3A_34 = vector.broadcast %logistic3A_33 : f32 to vector<32x1024xf32>
      %logistic3A_35 = arith.addf %logistic3A_34, %logistic3A_32 : vector<32x1024xf32>
      %logistic3A_36 = arith.divf %logistic3A_34, %logistic3A_35 : vector<32x1024xf32>
      %tanh3A_37 = math.tanh %mul3A : vector<32x1024xf32>
      %mul3A_38 = arith.mulf %logistic3A_36, %tanh3A_37 : vector<32x1024xf32>
      %concatenate3A = tpu.concatenate %scan3A_10#0, %mul3A_38 in 1 : vector<32x1024xf32>, vector<32x1024xf32> -> vector<32x2048xf32>
      %mul3A_39 = arith.mulf %concatenate3A, %concatenate3A : vector<32x2048xf32>
      %reduce_sum3A = arith.constant dense<0.000000e+00> : vector<32xf32>
      %reduce_sum3A_40 = vector.multi_reduction <add>, %mul3A_39, %reduce_sum3A [1] : vector<32x2048xf32> to vector<32xf32>
      %broadcast_in_dim3A_41 = vector.shape_cast %reduce_sum3A_40 : vector<32xf32> to vector<32x1xf32>
      %sqrt3A = math.sqrt %broadcast_in_dim3A_41 : vector<32x1xf32>
      %max3A = arith.constant 9.99999996E-13 : f32
      %max3A_42 = vector.broadcast %max3A : f32 to vector<32x1xf32>
      %max3A_43 = arith.maximumf %sqrt3A, %max3A_42 : vector<32x1xf32>
      %div3A = vector.broadcast %max3A_43 : vector<32x1xf32> to vector<32x2048xf32>
      %div3A_44 = arith.divf %concatenate3A, %div3A : vector<32x2048xf32>
      %swap3A = arith.constant 0 : index
      %swap3A_45 = arith.constant 0 : index
      %swap3A_46 = vector.load %arg7[%swap3A, %swap3A_45] : memref<32x2048xf32, #tpu.memory_space<vmem>>, vector<32x2048xf32>
      tpu.vector_store %arg7[%swap3A, %swap3A_45], %div3A_44 {strides = array<i32>} : memref<32x2048xf32, #tpu.memory_space<vmem>>, vector<32x2048xf32>,
    } else {
    }
    return
  }
  func.func @transform_0(%arg0: i32) -> (i32, i32) {
    %c0_i32 = arith.constant 0 : i32
    %c0_i32_0 = arith.constant 0 : i32
    %c0_i32_1 = arith.constant 0 : i32
    return %c0_i32, %c0_i32_0 : i32, i32
  }
  func.func @transform_1(%arg0: i32) -> (i32, i32) {
    %c0_i32 = arith.constant 0 : i32
    %c0_i32_0 = arith.constant 0 : i32
    %c0_i32_1 = arith.constant 0 : i32
    return %c0_i32, %c0_i32_0 : i32, i32
  }
  func.func @transform_2(%arg0: i32) -> (i32, i32) {
    %c0_i32 = arith.constant 0 : i32
    %c0_i32_0 = arith.constant 0 : i32
    %c0_i32_1 = arith.constant 0 : i32
    return %c0_i32, %c0_i32_0 : i32, i32
  }
  func.func @transform_3(%arg0: i32) -> (i32, i32) {
    %c0_i32 = arith.constant 0 : i32
    %c0_i32_0 = arith.constant 0 : i32
    %c0_i32_1 = arith.constant 0 : i32
    return %c0_i32, %c0_i32_0 : i32, i32
  }
  func.func @transform_4(%arg0: i32) -> (i32, i32) {
    %c0_i32 = arith.constant 0 : i32
    %c0_i32_0 = arith.constant 0 : i32
    %c0_i32_1 = arith.constant 0 : i32
    return %c0_i32, %c0_i32_0 : i32, i32
  }
  func.func @transform_5(%arg0: i32) -> (i32, i32) {
    %c0_i32 = arith.constant 0 : i32
    %c0_i32_0 = arith.constant 0 : i32
    %c0_i32_1 = arith.constant 0 : i32
    return %c0_i32, %c0_i32_0 : i32, i32
  }
  func.func @transform_6(%arg0: i32) -> (i32, i32) {
    %c0_i32 = arith.constant 0 : i32
    %c0_i32_0 = arith.constant 0 : i32
    %c0_i32_1 = arith.constant 0 : i32
    return %c0_i32, %c0_i32_0 : i32, i32
  }
}

</mosaic_0001>

<sc_bundles>
// kernel: kernel.5.cloned.1.call-start
scs
__scs_entry_jumppad:
0x0: {  	(pc) =	sbr.rel $0x88, $3  }
0x1: {  	(tag) =	ssettag $0x0;
	lr =	simm.s32 $0x1  }
0x2: {  	[smem:$0x3F89] =	sst lr;
	_ =	strace $0xD0000000  }
0x3: {  	_ = 	snop  }
0x4: {  	_ = 	snop  }
0x5: {  	_ = 	snop  }
0x6: {  	_ = 	snop  }
0x7: {  	_ = 	snop  }
__scs_overlays_trampoline_lowered:
0x8: {  	[smem:$0x3F98] =	sst s0  }
0x9: {  	[smem:$0x3F99] =	sst s1  }
0xa: {  	[smem:$0x3F9A] =	sst s2  }
0xb: {  	[smem:$0x3F9B] =	sst s3  }
0xc: {  	[smem:$0x3F9C] =	sst s4  }
0xd: {  	[smem:$0x3F9D] =	sst s5  }
0xe: {  	[smem:$0x3F9E] =	sst s6  }
0xf: {  	[smem:$0x3F9F] =	sst s7  }
0x10: {  	[smem:$0x3FA0] =	sst s8  }
0x11: {  	[smem:$0x3FA1] =	sst s9;
	s0 =	simm.s32 @!p0 $0x0  }
0x12: {  	s1 =	sld [smem:$0x3F87];
	s0 =	simm.s32 @p0 $0x1  }
0x13: {  	[smem:$0x3FA2] =	sst s0;
	s0 =	simm.s32 @!p1 $0x0  }
0x14: {  	s2 =	sld [smem:$0x3F86];
	s0 =	simm.s32 @p1 $0x1  }
0x15: {  	[smem:$0x3FA3] =	sst s0;
	s0 =	simm.s32 @!p2 $0x0  }
0x16: {  	s3 =	sld [smem:$0x3FDB];
	s0 =	simm.s32 @p2 $0x1  }
0x17: {  	s4 =	simm.s32 $0x1BF5;
	[smem:$0x3FA5] =	sst s0  }
0x18: {  	s0 =	sld [smem:$0x3F88];
	_ =	swait.ge [sflag:s4], $0x0  }
0x19: {  	s7 =	sld [smem:$0x3F89]  }
0x1a: {  	s8 =	sadd.s32 $0xFFFFE003, lr  }
0x1b: {  	s9 =	sadd.s32 $0xFFFFFEF7, lr;
	s5 =	simm.s32 $0xFFFFFFFF;
	p2 =	slt.u32 s8, $0xFFFFF086  }
0x1c: {  	p1 =	slt.u32 s9, $0xF7A;
	s5 =	simm.s32 @!p2 $0x0  }
0x1d: {  	s5 =	simm.s32 @p1 $0x1;
	p0 =	seq.s32 s7, s2  }
0x1e: {  	s7 =	smul.u32 @!p0 $0xF7A, s2;
	p2 =	seq.s32 @!p0 s5, $0x0  }
0x1f: {  	s9 =	smul.u32 $0xF7A, s1;
	s8 =	simm.s32 @!p0 $0x1BF5;
	p2 =	por !p2, p0  }
0x20: {  	[sflag:s8] =	ssyncset.s32 @!p0 $0xFFFFF086;
	s6 =	sadd.s32 @!p0 s3, s7;
	s7 =	simm.s32 @!p0 $0x108  }
0x21: {  	s3 =	sadd.s32 s3, s9;
	s6 =	sadd.s32 @!p0 $0x88, s6;
	s7 =	simm.s32 @p2 $0x1082  }
0x22: {  	[simem:s7], [sflag:s8] =	dma.local @!p0 [hbm:s6], $0xF7A  }
0x23: {  	s9 =	sor.u32 $0xD0000000, s2;
	s6 =	simm.s32 $0x108;
	_ =	swait.ge @!p0 [sflag:s8], $0x0  }
0x24: {  	s3 =	sadd.s32 $0x88, s3;
	s6 =	simm.s32 @!p1 $0x1082;
	[sflag:s4] =	ssyncset.s32 $0xFFFFF086  }
0x25: {  	[simem:s6], [sflag:s4] =	dma.local [hbm:s3], $0xF7A  }
0x26: {  	[smem:$0x3F89] =	sst s1;
	(tag) =	ssettag s2;
	_ =	strace s9  }
0x27: {  	s1 =	sld [smem:$0x3F99]  }
0x28: {  	s2 =	sld [smem:$0x3F9A]  }
0x29: {  	s4 =	sld [smem:$0x3F9C]  }
0x2a: {  	p0 =	seq.s32 s5, $0x0;
	s5 =	sld [smem:$0x3F9D]  }
0x2b: {  	s6 =	sld [smem:$0x3F9E]  }
0x2c: {  	s7 =	sld [smem:$0x3F9F]  }
0x2d: {  	s3 =	simm.s32 $0x108;
	s8 =	sld [smem:$0x3FA0]  }
0x2e: {  	s3 =	simm.s32 @!p0 $0x1082;
	s9 =	sld [smem:$0x3FA1]  }
0x2f: {  	lr =	sadd.s32 s0, s3;
	s0 =	sld [smem:$0x3F98]  }
0x30: {  	s3 =	sld [smem:$0x3F9B]  }
0x31: {  	[smem:$0x3FA4] =	sst s10  }
0x32: {  	s10 =	sld [smem:$0x3FA2];
	_ =	sdelay $0x3  }
0x33: {  	p0 =	seq.s32 s10, $0x1;
	s10 =	sld [smem:$0x3FA4];
	_ =	sdelay $0x3  }
0x34: {  	[smem:$0x3FA4] =	sst s10  }
0x35: {  	s10 =	sld [smem:$0x3FA3];
	_ =	sdelay $0x3  }
0x36: {  	p1 =	seq.s32 s10, $0x1;
	s10 =	sld [smem:$0x3FA4];
	_ =	sdelay $0x3  }
0x37: {  	[smem:$0x3FA4] =	sst s10  }
0x38: {  	s10 =	sld [smem:$0x3FA5]  }
0x39: {  	_ = 	snop;
	(pc) =	sbr.ind lr, $3  }
0x3a: {  	_ = 	snop  }
0x3b: {  	_ = 	snop  }
0x3c: {  	p2 =	seq.s32 s10, $0x1;
	s10 =	sld [smem:$0x3FA4]  }
0x3d: {  	_ =	shalt  }
0x3e: {  	_ =	shalt  }
0x3f: {  	_ =	shalt  }
0x40: {  	_ =	shalt  }
0x41: {  	_ =	shalt  }
0x42: {  	_ =	shalt  }
0x43: {  	_ =	shalt  }
0x44: {  	_ =	shalt  }
0x45: {  	_ =	shalt  }
0x46: {  	_ =	shalt  }
0x47: {  	_ =	shalt  }
0x48: {  	_ =	shalt  }
0x49: {  	_ =	shalt  }
0x4a: {  	_ =	shalt  }
0x4b: {  	_ =	shalt  }
0x4c: {  	_ =	shalt  }
0x4d: {  	_ =	shalt  }
0x4e: {  	_ =	shalt  }
0x4f: {  	_ =	shalt  }
0x50: {  	_ =	shalt  }
0x51: {  	_ =	shalt  }
0x52: {  	_ =	shalt  }
0x53: {  	_ =	shalt  }
0x54: {  	_ =	shalt  }
0x55: {  	_ =	shalt  }
0x56: {  	_ =	shalt  }
0x57: {  	_ =	shalt  }
0x58: {  	_ =	shalt  }
0x59: {  	_ =	shalt  }
0x5a: {  	_ =	shalt  }
0x5b: {  	_ =	shalt  }
0x5c: {  	_ =	shalt  }
0x5d: {  	_ =	shalt  }
0x5e: {  	_ =	shalt  }
0x5f: {  	_ =	shalt  }
0x60: {  	_ =	shalt  }
0x61: {  	_ =	shalt  }
0x62: {  	_ =	shalt  }
0x63: {  	_ =	shalt  }
0x64: {  	_ =	shalt  }
0x65: {  	_ =	shalt  }
0x66: {  	_ =	shalt  }
0x67: {  	_ =	shalt  }
0x68: {  	_ =	shalt  }
0x69: {  	_ =	shalt  }
0x6a: {  	_ =	shalt  }
0x6b: {  	_ =	shalt  }
0x6c: {  	_ =	shalt  }
0x6d: {  	_ =	shalt  }
0x6e: {  	_ =	shalt  }
0x6f: {  	_ =	shalt  }
0x70: {  	_ =	shalt  }
0x71: {  	_ =	shalt  }
0x72: {  	_ =	shalt  }
0x73: {  	_ =	shalt  }
0x74: {  	_ =	shalt  }
0x75: {  	_ =	shalt  }
0x76: {  	_ =	shalt  }
0x77: {  	_ =	shalt  }
0x78: {  	_ =	shalt  }
0x79: {  	_ =	shalt  }
0x7a: {  	_ =	shalt  }
0x7b: {  	_ =	shalt  }
0x7c: {  	_ =	shalt  }
0x7d: {  	_ =	shalt  }
0x7e: {  	_ =	shalt  }
0x7f: {  	_ =	shalt  }
0x80: {  	_ =	shalt  }
0x81: {  	_ =	shalt  }
0x82: {  	_ =	shalt  }
0x83: {  	_ =	shalt  }
0x84: {  	_ =	shalt  }
0x85: {  	_ =	shalt  }
0x86: {  	_ =	shalt  }
0x87: {  	_ =	shalt  }
.Lfunc_end0:
.L_simem_size_0:
called_computation_lowered:
.L_overlay_start_0:
0x88: {  	s2 =	sld [smem:$0x3FD9]  }
0x89: {  	s3 =	sld [smem:$0x3FFE];
	_ =	sdelay $0x1  }
0x8a: {  	s1 =	srdreg.scid  }
0x8b: {  	s0 =	sand.u32 $0x1, s1  }
0x8c: {  	s14 =	sshll.u32 s0, $0xA;
	s2 =	sadd.s32 s3, s2  }
0x8d: {  	s2 =	sadd.s32 s2, s14  }
0x8e: {  	[smem:$0x3FB0] =	sst s2  }
0x8f: {  	_ = 	snop  }
0x90: {  	s2 =	sld [smem:$0x3FD0];
	_ =	sdelay $0x2  }
0x91: {  	s15 =	simm.s32 $0xA;
	s4 =	simm.s32 $0x10  }
0x92: {  	[smem:s4], [sflag:s15] =	dma.local [hbm:s2], $0x1  }
0x93: {  	_ =	swait.eq [sflag:s15], $0x1  }
0x94: {  	[sflag:s15] =	ssyncset.done $0x0  }
0x95: {  	[sflag:s15] =	ssyncadd.s32 $0xFFFFFFFF  }
0x96: {  	s16 =	sld [smem:$0x10];
	(tm) =	ssettm $0x1  }
0x97: {  	s17 =	sld [smem:$0x3FFB];
	_ =	sdelay $0x3  }
0x98: {  	_ =	strace s17  }
0x99: {  	s3 =	sld [smem:$0x3FFC];
	_ =	sdelay $0x3  }
0x9a: {  	_ =	strace s3  }
0x9b: {  	s3 =	sld [smem:$0x3FFD];
	_ =	sdelay $0x3  }
0x9c: {  	_ =	strace s3  }
0x9d: {  	_ =	strace $0x8FFFFFFF  }
0x9e: {  	s18 =	sld [smem:$0x3FDB];
	_ =	sdelay $0x1  }
0x9f: {  	s19 =	simm.s32 $_scs_section_size  }
0xa0: {  	s5 =	simm.s32 $_size__tile_overlayer_lowered;
	s6 =	simm.s32 $_tile_overlayer_lowered  }
0xa1: {  	s22 =	simm.s32 $0x1BFF;
	s21 =	sshll.u32 s6, $0x1;
	s3 =	sadd.s32 s19, s18  }
0xa2: {  	s7 =	simm.s32 $0x0;
	s20 =	sshll.u32 s5, $0x1;
	s5 =	sadd.s32 s21, s3  }
0xa3: {  	[timem:s7], [sflag:s22] =	dma.local [hbm:s5], s20  }
0xa4: {  	_ =	swait.ge [sflag:s22], s20  }
0xa5: {  	s4 =	ssub.s32 $0x0, s20;
	[sflag:s22] =	ssyncset.done $0x0  }
0xa6: {  	[sflag:s22] =	ssyncadd.s32 s4;
	_ =	sdelay $0x1  }
0xa7: {  	s23 =	simm.s32 $0x1B8B  }
0xa8: {  	_ =	swait.ge [sflag:s23], $0x1  }
0xa9: {  	[sflag:s23] =	ssyncset.done $0x0  }
0xaa: {  	s25 =	simm.s32 $0x1B8E;
	s24 =	sld [smem:$0x3FFE];
	[sflag:s23] =	ssyncadd.s32 $0xFFFFFFFF  }
0xab: {  	s26 =	simm.s32 $execute0_lowered;
	[smem:$0x3FD2] =	sst s25  }
0xac: {  	s5 =	sshll.u32 s26, $0x1;
	_ =	strace $0x80000046;
	[dreg:$0x1] =	wrdreg $0xFFFFFFFF  }
0xad: {  	s28 =	simm.s32 $_size_execute0_lowered;
	s3 =	sadd.s32 s3, s5;
	[dreg:$0x0] =	wrdreg $0x0  }
0xae: {  	s5 =	sshll.u32 s28, $0x1;
	[dreg:$0x2] =	wrdreg s3  }
0xaf: {  	[dreg:$0x3] =	wrdreg s5  }
0xb0: {  	[dreg:$0x4] =	wrdreg $0xC0  }
0xb1: {  	_ =	task [dreg:s7], $0x5FFFF  }
0xb2: {  	[dreg:$0x1] =	wrdreg $0xFFFFFFFF  }
0xb3: {  	[dreg:$0x0] =	wrdreg $0x60  }
0xb4: {  	[dreg:$0x2] =	wrdreg s24  }
0xb5: {  	[dreg:$0x3] =	wrdreg s16  }
0xb6: {  	[dreg:$0x4] =	wrdreg $0x9  }
0xb7: {  	_ =	task.clear_ibuf [dreg:s7], $0x5FFFF;
	_ =	strace $0x90000046  }
0xb8: {  	s29 =	simm.s32 $0x9;
	_ =	strace $0x80000048  }
0xb9: {  	_ =	swait.ge [sflag:s29], $0x1  }
0xba: {  	[sflag:s29] =	ssyncadd.s32 $0xFFFFFFFF  }
0xbb: {  	_ =	strace $0x90000048  }
0xbc: {  	_ =	sfence  }
0xbd: {  	s30 =	sld [smem:$0x0];
	_ =	sdelay $0x2  }
0xbe: {  	s31 =	sshll.u32 s1, $0xD;
	s1 =	sshrl.u32 s1, $0x2  }
0xbf: {  	s3 =	sand.u32 $0x4000, s31;
	s1 =	sadd.s32 s1, s30  }
0xc0: {  	s0 =	sor.u32 s3, s0;
	s1 =	sshll.u32 s1, $0x11  }
0xc1: {  	s0 =	sor.u32 s1, s0  }
0xc2: {  	s0 =	sadd.s32 $0x8F2B, s0  }
0xc3: {  	[sflag:s0] =	ssyncadd.remote.s32 $0x1  }
0xc4: {  	_ =	sfence.sel $0xFFFF  }
0xc5: {  	[dreg:$0x0] =	wrdreg $0xFFFFFFFF;
	(pc) =	sbr.abs _section_cstart, $3  }
0xc6: {  	[dreg:$0x1] =	wrdreg $0xFFFFFFFF  }
0xc7: {  	_ =	task.clear_ibuf [dreg:s7], $0x2FFFF;
	_ =	strace $0x9FFFFFFF  }
0xc8: {  	(tm) =	ssettm $0x7FFFFFFF  }
0xc9: {  	_ =	shalt  }
tec
execute0_lowered:
.L_overlay_start_1:
0x0: {  	(tag) =	ssettag $0x1  }
0x1: {  	s5 =	rddreg [dreg:$0x0]  }
0x2: {  	s1 =	srdreg.scid;
	s0 =	stileid.u32  }
0x3: {  	s4 =	rddreg [dreg:$0x1];
	s2 =	simm.s32 $0x0;
	s10 =	simm.s32 $0x880  }
0x4: {  	s11 =	simm.s32 $0xC80;
	s12 =	simm.s32 $0x1480;
	s13 =	simm.s32 $0x1880  }
0x5: {  	s14 =	simm.s32 $0x2080;
	s15 =	simm.s32 $0x2480;
	s16 =	simm.s32 $0x2C80  }
0x6: {  	s17 =	simm.s32 $0x3080;
	s18 =	simm.s32 $0x3880;
	s19 =	simm.s32 $0x3C80  }
0x7: {  	s20 =	simm.s32 $0x4480;
	s3 =	sand.u32 $0x1, s1;
	s6 =	sshll.u32 s0, $0x1  }
0x8: {  	s21 =	simm.s32 $0x1;
	s1 =	rddreg [dreg:$0x2];
	s6 =	sor.u32 s3, s6  }
0x9: {  	[smem:$0x7FF] =	sst s2;
	s8 =	ssub.s32 $0x2, s3;
	s7 =	smul.u32 $0x900, s6  }
0xa: {  	_ =	strace $0x80000047;
	s9 =	sshrl.u32 s8, $0x1;
	s6 =	smul.u32 $0x6, s6  }
0xb: {  	v2 =	vlaneseq.u32;
	s3 =	sadd.s32 $0x7800, s5;
	s8 =	ssub.s32 s8, s9;
	s9 =	simm.s32 $0x80  }
0xc: {  	vm0 =	vmmov $0xffff;
	vm1 =	vmmov $0xff;
	v1 =	vshrl.u32 v2, $0x3;
	s7 =	sadd.s32 s7, s5;
	s4 =	sadd.s32 s4, s6;
	s5 =	sadd.s32 $0x7900, s5  }
0xd: {  	v0 =	vand.u32 $0x7, v2;
	v2 =	vor.u32 $0x8, v2;
	v1 =	vmul.u32 $0x8, v1;
	s6 =	sadd.s32 $0x7CE00, s7;
	s7 =	smax.u32 s8, $0x1;
	s8 =	simm.s32 $0x2  }
.LBB2_1:
0xe: {  	[tilespmem:s2], [sflag:$0x2] =	stream.linear.gather [hbm4b:s4+s2], $0x30, $0x38;
	[tilespmem:$0x4880] =	vst v63  }
0xf: {  	_ =	swait.ge [sflag:s8], $0x30  }
0x10: {  	[sflag:s8] =	ssyncset.done $0x0  }
0x11: {  	[sflag:s8] =	ssyncadd.s32 $0xFFFFFFD0  }
0x12: {  	v3 =	vld [tilespmem:$0x0];
	_ =	sdelay $0x4  }
0x13: {  	v4 =	vshrl.u32 v3, $0x3  }
0x14: {  	v4 =	vmul.u32 $0x18, v4  }
0x15: {  	v3 =	vand.u32 $0x7, v3  }
0x16: {  	v3 =	vor.u32 v3, v4  }
0x17: {  	v4 =	vperm.xlane v3, v0;
	_ =	sdelay $0x1  }
0x18: {  	v4 =	vadd.s32 v1, v4;
	_ =	sdelay $0x1  }
0x19: {  	v3 =	vperm.xlane v3, v2;
	_ =	sdelay $0x1  }
0x1a: {  	v3 =	vadd.s32 v1, v3  }
0x1b: {  	[tilespmem:s9], [sflag:$0x1] =	stream.indirect_vreg.gather [hbm4b:s3+s2], $0x80, v4, vm0, $0xb8;
	[tilespmem:$0x4880] =	vst v63  }
0x1c: {  	_ = 	snop  }
0x1d: {  	[tilespmem:s10], [sflag:$0x1] =	stream.indirect_vreg.gather [hbm4b:s5+s2], $0x80, v4, vm1, $0xb8;
	[tilespmem:$0x4880] =	vst v63  }
0x1e: {  	_ = 	snop  }
0x1f: {  	[tilespmem:s11], [sflag:$0x1] =	stream.indirect_vreg.gather [hbm4b:s3+s2], $0x80, v3, vm0, $0xb8;
	[tilespmem:$0x4880] =	vst v63  }
0x20: {  	_ = 	snop  }
0x21: {  	[tilespmem:s12], [sflag:$0x1] =	stream.indirect_vreg.gather [hbm4b:s5+s2], $0x80, v3, vm1, $0xb8;
	[tilespmem:$0x4880] =	vst v63  }
0x22: {  	v3 =	vld [tilespmem:$0x10];
	_ =	sdelay $0x4  }
0x23: {  	v62 =	vshrl.u32 v3, $0x3  }
0x24: {  	v4 =	vmul.u32 $0x18, v62  }
0x25: {  	v3 =	vand.u32 $0x7, v3  }
0x26: {  	v3 =	vor.u32 v3, v4  }
0x27: {  	v4 =	vperm.xlane v3, v0;
	_ =	sdelay $0x1  }
0x28: {  	v4 =	vadd.s32 v1, v4;
	_ =	sdelay $0x1  }
0x29: {  	v3 =	vperm.xlane v3, v2;
	_ =	sdelay $0x1  }
0x2a: {  	v3 =	vadd.s32 v1, v3  }
0x2b: {  	[tilespmem:s13], [sflag:$0x1] =	stream.indirect_vreg.gather [hbm4b:s3+s2], $0x80, v4, vm0, $0xb8;
	[tilespmem:$0x4880] =	vst v63  }
0x2c: {  	_ = 	snop  }
0x2d: {  	[tilespmem:s14], [sflag:$0x1] =	stream.indirect_vreg.gather [hbm4b:s5+s2], $0x80, v4, vm1, $0xb8;
	[tilespmem:$0x4880] =	vst v63  }
0x2e: {  	_ = 	snop  }
0x2f: {  	[tilespmem:s15], [sflag:$0x1] =	stream.indirect_vreg.gather [hbm4b:s3+s2], $0x80, v3, vm0, $0xb8;
	[tilespmem:$0x4880] =	vst v63  }
0x30: {  	_ = 	snop  }
0x31: {  	[tilespmem:s16], [sflag:$0x1] =	stream.indirect_vreg.gather [hbm4b:s5+s2], $0x80, v3, vm1, $0xb8;
	[tilespmem:$0x4880] =	vst v63  }
0x32: {  	v3 =	vld [tilespmem:$0x20];
	_ =	sdelay $0x4  }
0x33: {  	v63 =	vshrl.u32 v3, $0x3  }
0x34: {  	v4 =	vmul.u32 $0x18, v63  }
0x35: {  	v3 =	vand.u32 $0x7, v3  }
0x36: {  	v3 =	vor.u32 v3, v4  }
0x37: {  	v4 =	vperm.xlane v3, v0;
	_ =	sdelay $0x1  }
0x38: {  	v4 =	vadd.s32 v1, v4;
	_ =	sdelay $0x1  }
0x39: {  	v3 =	vperm.xlane v3, v2;
	_ =	sdelay $0x1  }
0x3a: {  	v3 =	vadd.s32 v1, v3  }
0x3b: {  	[tilespmem:s17], [sflag:$0x1] =	stream.indirect_vreg.gather [hbm4b:s3+s2], $0x80, v4, vm0, $0xb8;
	[tilespmem:$0x4880] =	vst v63  }
0x3c: {  	_ = 	snop  }
0x3d: {  	[tilespmem:s18], [sflag:$0x1] =	stream.indirect_vreg.gather [hbm4b:s5+s2], $0x80, v4, vm1, $0xb8;
	[tilespmem:$0x4880] =	vst v63  }
0x3e: {  	_ = 	snop  }
0x3f: {  	[tilespmem:s19], [sflag:$0x1] =	stream.indirect_vreg.gather [hbm4b:s3+s2], $0x80, v3, vm0, $0xb8;
	[tilespmem:$0x4880] =	vst v63  }
0x40: {  	_ = 	snop  }
0x41: {  	[tilespmem:s20], [sflag:$0x1] =	stream.indirect_vreg.gather [hbm4b:s5+s2], $0x80, v3, vm1, $0xb8;
	[tilespmem:$0x4880] =	vst v63  }
0x42: {  	_ =	swait.ge [sflag:s21], $0x4800  }
0x43: {  	p0 =	sne.s32 s7, $0x1;
	[sflag:s21] =	ssyncset.done $0x0  }
.Ltmp0:
0x44: {  	[sflag:s21] =	ssyncadd.s32 $0xFFFFB800;
	(pc) =	sbr.rel @p0 .LBB2_1-.Ltmp0, $4  }
0x45: {  	[hbm4b:s6+s2] =	stream.linear.scatter [tilespmem:s9], [sflag:$0x2], $0x4800, $0x38;
	[tilespmem:$0x4880] =	vst v63  }
0x46: {  	_ =	swait.ge [sflag:s8], $0x4800  }
0x47: {  	[sflag:s8] =	ssyncset.done $0x0  }
0x48: {  	s7 =	sadd.s32 $0xFFFFFFFF, s7;
	[sflag:s8] =	ssyncadd.s32 $0xFFFFB800  }
0x49: {  	_ =	sfence.sel $0x180000  }
0x4a: {  	[bflag:$0x0] =	sbarrier.arrive $0xFFFF  }
0x4b: {  	p0 =	sne.s32 s0, $0x0;
	_ =	strace $0x90000047  }
0x4c: {  	s0 =	sadd.s32 @!p0 $0x100000, s1;
	[bflag:$0x2] =	sbarrier.arrive $0xFFFF  }
0x4d: {  	[sflag:s0] =	ssyncadd.tile.s32 @!p0 $0x1;
	_ =	shalt  }
.Lfunc_end2:
_tile_overlayer_lowered:
.L_overlay_start_2:
0x4e: {  	(tag) =	ssettag $0x2  }
0x4f: {  	s0 =	rddreg [dreg:$0x0];
	s2 =	stileid.u32  }
0x50: {  	s1 =	rddreg [dreg:$0x1];
	p0 =	sne.s32 s2, $0x0  }
0x51: {  	s3 =	rddreg [dreg:$0x2];
	[bflag:$0x3] =	sbarrier.arrive $0xFFFF;
	s2 =	simm.s32 @!p0 $0x1C02  }
0x52: {  	[timem:s3], [sflag:s2] =	dma.local @!p0 [hbm:s0], s1  }
0x53: {  	s0 =	simm.s32 @!p0 $0x2  }
0x54: {  	_ =	swait.ge @!p0 [sflag:s0], s1  }
0x55: {  	s1 =	ssub.s32 @!p0 $0x0, s1;
	[sflag:s0] =	ssyncset.done @!p0 $0x0  }
0x56: {  	[sflag:s0] =	ssyncadd.s32 @!p0 s1  }
0x57: {  	[bflag:$0x3] =	sbarrier.arrive $0xFFFF  }
0x58: {  	_ =	shalt  }

</sc_bundles>
